<compile_context>
chip_gen: v7x
topology: tpu7x:2x2x1
jax: 0.10.2.dev20260603
libtpu: 0.0.44.dev20260713+nightly
codegen_flags: <defaults>
</compile_context>

<pallas_src>
import functools

import jax
import jax.numpy as jnp
from jax import lax
from jax.experimental import pallas as pl
from jax.experimental.pallas import tpu as pltpu
from jax.experimental.pallas import tpu_sc as plsc

_NUM_CORES = 2
_NUM_SUBCORES = 16
_NUM_WORKERS = _NUM_CORES * _NUM_SUBCORES
_LANES = 16
_NBUF = 4


def _make_kernel(R, E, N, C):
    n_half = R // C
    B = R // N
    halves_per_w = n_half // _NUM_WORKERS
    seqs_per_w = halves_per_w // 2
    ngroups = halves_per_w // _NBUF

    mesh = plsc.VectorSubcoreMesh(
        core_axis_name="c", subcore_axis_name="s",
        num_cores=_NUM_CORES, num_subcores=_NUM_SUBCORES,
    )

    @functools.partial(
        pl.kernel,
        out_type=jax.ShapeDtypeStruct((B, N, E), jnp.float32),
        mesh=mesh,
        scratch_types=[
            pltpu.VMEM((N, E // 2), jnp.int32),
            pltpu.VMEM((halves_per_w, C), jnp.int32),
            pltpu.VMEM((2, N, E), jnp.float32),
            pltpu.SemaphoreType.DMA((_NBUF,)),
            pltpu.SemaphoreType.DMA((2,)),
        ],
    )
    def emb_kernel(x_hbm, wemb_hbm, pos_hbm, out_hbm, pos_v, idx_v, rows_v,
                   gsem, ssem):
        wid = lax.axis_index("s") * _NUM_CORES + lax.axis_index("c")
        first = wid * halves_per_w
        first_seq = wid * seqs_per_w
        pltpu.sync_copy(x_hbm.at[pl.ds(first, halves_per_w)], idx_v)
        pltpu.sync_copy(pos_hbm, pos_v)

        def _half_ref(b):
            return rows_v.at[b // 2, pl.ds((b % 2) * C, C)]

        def g_start(hc, b):
            pltpu.async_copy(wemb_hbm.at[idx_v.at[hc]], _half_ref(b),
                             gsem.at[b])

        def g_wait(hc, b):
            pltpu.make_async_copy(wemb_hbm.at[idx_v.at[hc]], _half_ref(b),
                                  gsem.at[b]).wait()

        def s_start(seq, q):
            pltpu.async_copy(rows_v.at[q], out_hbm.at[first_seq + seq],
                             ssem.at[q])

        def s_wait(seq, q):
            pltpu.make_async_copy(rows_v.at[q], out_hbm.at[first_seq + seq],
                                  ssem.at[q]).wait()

        def add_pos(q, h):
            def row(rr, _):
                for j in range(E // (2 * _LANES)):
                    w = pos_v[rr, pl.ds(_LANES * j, _LANES)]
                    a = lax.bitcast_convert_type(w << 16, jnp.float32)
                    b = lax.bitcast_convert_type(w & jnp.int32(-65536),
                                                 jnp.float32)
                    o = 2 * _LANES * j
                    plsc.addupdate(rows_v.at[q, rr, pl.ds(o, _LANES)], a)
                    plsc.addupdate(rows_v.at[q, rr, pl.ds(o + _LANES, _LANES)],
                                   b)
                return 0

            lax.fori_loop(h * C, (h + 1) * C, row, 0, unroll=2)

        def quad(gi, head, tail):
            for k in range(_NBUF):
                hc = _NBUF * gi + k
                q, h = k // 2, k % 2
                b2 = (k + 2) % _NBUF
                g_wait(hc, k)
                pass
                if h == 1:
                    s_start(2 * gi + q, q)
                if not (tail and k >= 2):
                    if k == 0 and not head:
                        s_wait(2 * gi - 1, 1)
                    elif k == 2:
                        s_wait(2 * gi, 0)
                    g_start(hc + 2, b2)

        g_start(0, 0)
        g_start(1, 1)
        quad(0, True, False)

        def body(gi, _):
            quad(gi, False, False)
            return 0

        lax.fori_loop(1, ngroups - 1, body, 0)
        quad(ngroups - 1, False, True)
        s_wait(2 * (ngroups - 1), 0)
        s_wait(2 * (ngroups - 1) + 1, 1)

    return emb_kernel


def kernel(x, word_embedding, positional_embedding):
    B, N = x.shape
    V, E = word_embedding.shape
    R = B * N
    C = N // 2
    x_flat = x.reshape(R // C, C).astype(jnp.int32)
    pos_packed = jax.lax.bitcast_convert_type(
        positional_embedding.astype(jnp.bfloat16)
        .reshape(N, E // 32, 2, 16)
        .transpose(0, 1, 3, 2),
        jnp.int32).reshape(N, E // 2)
    return _make_kernel(R, E, N, C)(x_flat, word_embedding, pos_packed)

# --- scband reference (transcript-rebuilt; emitter-appended) ---
"""Pipeline reference for scband-embedding-53429393162354 (READ-ONLY COPY).

The authoritative reference and input builder live on the scoring server;
editing this copy changes nothing except your own understanding.
"""

import jax, jax.numpy as jnp
import numpy as np

VOCAB_SIZE = 100000
EMBED_SIZE = 128
MAX_LENGTH = 200
BATCH = 4096
SEQ = 200

def setup_inputs(seed: int = 0) -> dict:
    key = jax.random.key(seed)
    k1, k2, k3 = jax.random.split(key, 3)
    x = jax.random.randint(k1, (BATCH, SEQ), 0, VOCAB_SIZE, dtype=jnp.int64 if jax.config.jax_enable_x64 else jnp.int32)
    word_embedding = jax.random.normal(k2, (VOCAB_SIZE, EMBED_SIZE), dtype=jnp.float32)
    positional_embedding = jax.random.normal(k3, (MAX_LENGTH, EMBED_SIZE), dtype=jnp.float32)
    return {"x": x, "word_embedding": word_embedding, "positional_embedding": positional_embedding}

def reference(x, word_embedding, positional_embedding):
    B, N = x.shape
    tok_emb = jnp.take(word_embedding, x, axis=0)  # [B, N, E]
    pos_idx = jnp.arange(0, N)[None, :]  # [1, N]
    pos_emb = jnp.take(positional_embedding, pos_idx, axis=0)  # [1, N, E]
    return tok_emb + pos_emb

if __name__ == "__main__":
    import jax
    _d = setup_inputs()
    print(jax.jit(kernel)(*tuple(_d.values())))

</pallas_src>

<mosaic_0001>
#map = affine_map<(d0, d1) -> (0, 0)>
#map1 = affine_map<(d0, d1) -> (0, 0, 0)>
module attributes {stable_mosaic.version = 14 : i64} {
  func.func @emb_kernel(%arg0: i32, %arg1: i32, %arg2: memref<8192x100xi32, #tpu.memory_space<hbm>>, %arg3: memref<100000x128xf32, #tpu.memory_space<hbm>>, %arg4: memref<200x64xi32, #tpu.memory_space<hbm>>, %arg5: memref<4096x200x128xf32, #tpu.memory_space<hbm>>, %arg6: memref<200x64xi32, #tpu.memory_space<vmem>>, %arg7: memref<256x100xi32, #tpu.memory_space<vmem>>, %arg8: memref<2x200x128xf32, #tpu.memory_space<vmem>>, %arg9: memref<4x!tpu.dma_semaphore, #tpu.memory_space<semaphore_mem>>, %arg10: memref<2x!tpu.dma_semaphore, #tpu.memory_space<semaphore_mem>>) attributes {dimension_semantics = [#tpu.dimension_semantics<core_parallel>, #tpu.dimension_semantics<subcore_parallel>], iteration_bounds = array<i64: 2, 16>, scalar_prefetch = 0 : i64, scratch_operands = 5 : i64, tpu.core_type = #tpu.core_type<sc_vector_subcore>, window_params = [{transform_indices = #map}, {transform_indices = #map}, {transform_indices = #map}, {transform_indices = #map1}]} {
    %mul3A = arith.constant 2 : i32
    %mul3A_0 = arith.muli %arg1, %mul3A : i32
    %add3A = arith.addi %mul3A_0, %arg0 : i32
    %mul3A_1 = arith.constant 256 : i32
    %mul3A_2 = arith.muli %add3A, %mul3A_1 : i32
    %mul3A_3 = arith.constant 128 : i32
    %mul3A_4 = arith.muli %add3A, %mul3A_3 : i32
    "tpu.region"() ({
      %run_scoped3A = tpu.sem_alloc : memref<!tpu.dma_semaphore, #tpu.memory_space<semaphore_mem>>
      %dma_start3A_425 = arith.constant 0 : i32
      %dma_start3A_426 = tpu.memref_slice %arg2[%mul3A_2, %dma_start3A_425] : memref<8192x100xi32, #tpu.memory_space<hbm>> -> memref<256x100xi32, #tpu.memory_space<hbm>>
      %dma_start3A_427 = arith.constant 0 : i32
      %dma_start3A_428 = tpu.memref_slice %arg2[%mul3A_2, %dma_start3A_427] : memref<8192x100xi32, #tpu.memory_space<hbm>> -> memref<256x100xi32, #tpu.memory_space<hbm>>
      tpu.enqueue_dma source(%dma_start3A_428 : memref<256x100xi32, #tpu.memory_space<hbm>>) target(%arg7 : memref<256x100xi32, #tpu.memory_space<vmem>>) target_semaphore(%run_scoped3A : memref<!tpu.dma_semaphore, #tpu.memory_space<semaphore_mem>>)
      %dma_wait3A_429 = arith.constant 0 : i32
      %dma_wait3A_430 = tpu.memref_slice %arg2[%mul3A_2, %dma_wait3A_429] : memref<8192x100xi32, #tpu.memory_space<hbm>> -> memref<256x100xi32, #tpu.memory_space<hbm>>
      %dma_wait3A_431 = arith.constant 0 : i32
      %dma_wait3A_432 = tpu.memref_slice %arg2[%mul3A_2, %dma_wait3A_431] : memref<8192x100xi32, #tpu.memory_space<hbm>> -> memref<256x100xi32, #tpu.memory_space<hbm>>
      tpu.wait_dma2 semaphore(%run_scoped3A : memref<!tpu.dma_semaphore, #tpu.memory_space<semaphore_mem>>) src(%dma_wait3A_432 : memref<256x100xi32, #tpu.memory_space<hbm>>) dst(%arg7 : memref<256x100xi32, #tpu.memory_space<vmem>>)
      tpu.yield
    }) : () -> ()
    "tpu.region"() ({
      %run_scoped3A = tpu.sem_alloc : memref<!tpu.dma_semaphore, #tpu.memory_space<semaphore_mem>>
      tpu.enqueue_dma source(%arg4 : memref<200x64xi32, #tpu.memory_space<hbm>>) target(%arg6 : memref<200x64xi32, #tpu.memory_space<vmem>>) target_semaphore(%run_scoped3A : memref<!tpu.dma_semaphore, #tpu.memory_space<semaphore_mem>>)
      tpu.wait_dma2 semaphore(%run_scoped3A : memref<!tpu.dma_semaphore, #tpu.memory_space<semaphore_mem>>) src(%arg4 : memref<200x64xi32, #tpu.memory_space<hbm>>) dst(%arg6 : memref<200x64xi32, #tpu.memory_space<vmem>>)
      tpu.yield
    }) : () -> ()
    %dma_start3A = arith.constant 0 : i32
    %dma_start3A_5 = arith.constant 0 : i32
    %dma_start3A_6 = arith.constant 0 : i32
    %dma_start3A_7 = arith.constant 0 : i32
    %dma_start3A_8 = arith.constant 0 : i32
    %dma_start3A_9 = tpu.memref_slice %arg8[%dma_start3A_5, %dma_start3A_7, %dma_start3A_8] : memref<2x200x128xf32, #tpu.memory_space<vmem>> -> memref<1x100x128xf32, #tpu.memory_space<vmem>>
    %dma_start3A_10 = tpu.memref_squeeze %dma_start3A_9 : memref<1x100x128xf32, #tpu.memory_space<vmem>> -> memref<100x128xf32, #tpu.memory_space<vmem>>
    %dma_start3A_11 = arith.constant 0 : i32
    %dma_start3A_12 = tpu.memref_slice %arg7[%dma_start3A, %dma_start3A_11] : memref<256x100xi32, #tpu.memory_space<vmem>> -> memref<1x100xi32, #tpu.memory_space<vmem>>
    %dma_start3A_13 = tpu.memref_squeeze %dma_start3A_12 : memref<1x100xi32, #tpu.memory_space<vmem>> -> memref<100xi32, #tpu.memory_space<vmem>>
    %dma_start3A_14 = arith.constant 0 : i32
    %dma_start3A_15 = arith.constant 0 : i32
    %dma_start3A_16 = tpu.memref_slice %arg3[%dma_start3A_14, %dma_start3A_15] : memref<100000x128xf32, #tpu.memory_space<hbm>> -> memref<100000x128xf32, #tpu.memory_space<hbm>>
    %dma_start3A_17 = tpu.memref_slice %arg9[%dma_start3A_6] : memref<4x!tpu.dma_semaphore, #tpu.memory_space<semaphore_mem>> -> memref<1x!tpu.dma_semaphore, #tpu.memory_space<semaphore_mem>>
    %dma_start3A_18 = tpu.memref_squeeze %dma_start3A_17 : memref<1x!tpu.dma_semaphore, #tpu.memory_space<semaphore_mem>> -> memref<!tpu.dma_semaphore, #tpu.memory_space<semaphore_mem>>
    tpu.enqueue_indirect_dma source(%dma_start3A_16 : memref<100000x128xf32, #tpu.memory_space<hbm>>) target(%dma_start3A_10 : memref<100x128xf32, #tpu.memory_space<vmem>>) offsets(%dma_start3A_13 : memref<100xi32, #tpu.memory_space<vmem>>) semaphore(%dma_start3A_18 : memref<!tpu.dma_semaphore, #tpu.memory_space<semaphore_mem>>)
    %dma_start3A_19 = arith.constant 1 : i32
    %dma_start3A_20 = arith.constant 0 : i32
    %dma_start3A_21 = arith.constant 1 : i32
    %dma_start3A_22 = arith.constant 100 : i32
    %dma_start3A_23 = arith.constant 0 : i32
    %dma_start3A_24 = tpu.memref_slice %arg8[%dma_start3A_20, %dma_start3A_22, %dma_start3A_23] : memref<2x200x128xf32, #tpu.memory_space<vmem>> -> memref<1x100x128xf32, #tpu.memory_space<vmem>>
    %dma_start3A_25 = tpu.memref_squeeze %dma_start3A_24 : memref<1x100x128xf32, #tpu.memory_space<vmem>> -> memref<100x128xf32, #tpu.memory_space<vmem>>
    %dma_start3A_26 = arith.constant 0 : i32
    %dma_start3A_27 = tpu.memref_slice %arg7[%dma_start3A_19, %dma_start3A_26] : memref<256x100xi32, #tpu.memory_space<vmem>> -> memref<1x100xi32, #tpu.memory_space<vmem>>
    %dma_start3A_28 = tpu.memref_squeeze %dma_start3A_27 : memref<1x100xi32, #tpu.memory_space<vmem>> -> memref<100xi32, #tpu.memory_space<vmem>>
    %dma_start3A_29 = arith.constant 0 : i32
    %dma_start3A_30 = arith.constant 0 : i32
    %dma_start3A_31 = tpu.memref_slice %arg3[%dma_start3A_29, %dma_start3A_30] : memref<100000x128xf32, #tpu.memory_space<hbm>> -> memref<100000x128xf32, #tpu.memory_space<hbm>>
    %dma_start3A_32 = tpu.memref_slice %arg9[%dma_start3A_21] : memref<4x!tpu.dma_semaphore, #tpu.memory_space<semaphore_mem>> -> memref<1x!tpu.dma_semaphore, #tpu.memory_space<semaphore_mem>>
    %dma_start3A_33 = tpu.memref_squeeze %dma_start3A_32 : memref<1x!tpu.dma_semaphore, #tpu.memory_space<semaphore_mem>> -> memref<!tpu.dma_semaphore, #tpu.memory_space<semaphore_mem>>
    tpu.enqueue_indirect_dma source(%dma_start3A_31 : memref<100000x128xf32, #tpu.memory_space<hbm>>) target(%dma_start3A_25 : memref<100x128xf32, #tpu.memory_space<vmem>>) offsets(%dma_start3A_28 : memref<100xi32, #tpu.memory_space<vmem>>) semaphore(%dma_start3A_33 : memref<!tpu.dma_semaphore, #tpu.memory_space<semaphore_mem>>)
    %dma_wait3A = arith.constant 0 : i32
    %dma_wait3A_34 = arith.constant 0 : i32
    %dma_wait3A_35 = arith.constant 0 : i32
    %dma_wait3A_36 = arith.constant 0 : i32
    %dma_wait3A_37 = arith.constant 0 : i32
    %dma_wait3A_38 = tpu.memref_slice %arg8[%dma_wait3A_34, %dma_wait3A_36, %dma_wait3A_37] : memref<2x200x128xf32, #tpu.memory_space<vmem>> -> memref<1x100x128xf32, #tpu.memory_space<vmem>>
    %dma_wait3A_39 = tpu.memref_squeeze %dma_wait3A_38 : memref<1x100x128xf32, #tpu.memory_space<vmem>> -> memref<100x128xf32, #tpu.memory_space<vmem>>
    %dma_wait3A_40 = arith.constant 0 : i32
    %dma_wait3A_41 = tpu.memref_slice %arg7[%dma_wait3A, %dma_wait3A_40] : memref<256x100xi32, #tpu.memory_space<vmem>> -> memref<1x100xi32, #tpu.memory_space<vmem>>
    %dma_wait3A_42 = tpu.memref_squeeze %dma_wait3A_41 : memref<1x100xi32, #tpu.memory_space<vmem>> -> memref<100xi32, #tpu.memory_space<vmem>>
    %dma_wait3A_43 = arith.constant 0 : i32
    %dma_wait3A_44 = arith.constant 0 : i32
    %dma_wait3A_45 = tpu.memref_slice %arg3[%dma_wait3A_43, %dma_wait3A_44] : memref<100000x128xf32, #tpu.memory_space<hbm>> -> memref<100000x128xf32, #tpu.memory_space<hbm>>
    %dma_wait3A_46 = tpu.memref_slice %arg9[%dma_wait3A_35] : memref<4x!tpu.dma_semaphore, #tpu.memory_space<semaphore_mem>> -> memref<1x!tpu.dma_semaphore, #tpu.memory_space<semaphore_mem>>
    %dma_wait3A_47 = tpu.memref_squeeze %dma_wait3A_46 : memref<1x!tpu.dma_semaphore, #tpu.memory_space<semaphore_mem>> -> memref<!tpu.dma_semaphore, #tpu.memory_space<semaphore_mem>>
    tpu.wait_indirect_dma semaphore(%dma_wait3A_47 : memref<!tpu.dma_semaphore, #tpu.memory_space<semaphore_mem>>) src(%dma_wait3A_45 : memref<100000x128xf32, #tpu.memory_space<hbm>>) dst(%dma_wait3A_39 : memref<100x128xf32, #tpu.memory_space<vmem>>)
    %dma_start3A_48 = arith.constant 2 : i32
    %dma_start3A_49 = arith.constant 1 : i32
    %dma_start3A_50 = arith.constant 2 : i32
    %dma_start3A_51 = arith.constant 0 : i32
    %dma_start3A_52 = arith.constant 0 : i32
    %dma_start3A_53 = tpu.memref_slice %arg8[%dma_start3A_49, %dma_start3A_51, %dma_start3A_52] : memref<2x200x128xf32, #tpu.memory_space<vmem>> -> memref<1x100x128xf32, #tpu.memory_space<vmem>>
    %dma_start3A_54 = tpu.memref_squeeze %dma_start3A_53 : memref<1x100x128xf32, #tpu.memory_space<vmem>> -> memref<100x128xf32, #tpu.memory_space<vmem>>
    %dma_start3A_55 = arith.constant 0 : i32
    %dma_start3A_56 = tpu.memref_slice %arg7[%dma_start3A_48, %dma_start3A_55] : memref<256x100xi32, #tpu.memory_space<vmem>> -> memref<1x100xi32, #tpu.memory_space<vmem>>
    %dma_start3A_57 = tpu.memref_squeeze %dma_start3A_56 : memref<1x100xi32, #tpu.memory_space<vmem>> -> memref<100xi32, #tpu.memory_space<vmem>>
    %dma_start3A_58 = arith.constant 0 : i32
    %dma_start3A_59 = arith.constant 0 : i32
    %dma_start3A_60 = tpu.memref_slice %arg3[%dma_start3A_58, %dma_start3A_59] : memref<100000x128xf32, #tpu.memory_space<hbm>> -> memref<100000x128xf32, #tpu.memory_space<hbm>>
    %dma_start3A_61 = tpu.memref_slice %arg9[%dma_start3A_50] : memref<4x!tpu.dma_semaphore, #tpu.memory_space<semaphore_mem>> -> memref<1x!tpu.dma_semaphore, #tpu.memory_space<semaphore_mem>>
    %dma_start3A_62 = tpu.memref_squeeze %dma_start3A_61 : memref<1x!tpu.dma_semaphore, #tpu.memory_space<semaphore_mem>> -> memref<!tpu.dma_semaphore, #tpu.memory_space<semaphore_mem>>
    tpu.enqueue_indirect_dma source(%dma_start3A_60 : memref<100000x128xf32, #tpu.memory_space<hbm>>) target(%dma_start3A_54 : memref<100x128xf32, #tpu.memory_space<vmem>>) offsets(%dma_start3A_57 : memref<100xi32, #tpu.memory_space<vmem>>) semaphore(%dma_start3A_62 : memref<!tpu.dma_semaphore, #tpu.memory_space<semaphore_mem>>)
    %dma_wait3A_63 = arith.constant 1 : i32
    %dma_wait3A_64 = arith.constant 0 : i32
    %dma_wait3A_65 = arith.constant 1 : i32
    %dma_wait3A_66 = arith.constant 100 : i32
    %dma_wait3A_67 = arith.constant 0 : i32
    %dma_wait3A_68 = tpu.memref_slice %arg8[%dma_wait3A_64, %dma_wait3A_66, %dma_wait3A_67] : memref<2x200x128xf32, #tpu.memory_space<vmem>> -> memref<1x100x128xf32, #tpu.memory_space<vmem>>
    %dma_wait3A_69 = tpu.memref_squeeze %dma_wait3A_68 : memref<1x100x128xf32, #tpu.memory_space<vmem>> -> memref<100x128xf32, #tpu.memory_space<vmem>>
    %dma_wait3A_70 = arith.constant 0 : i32
    %dma_wait3A_71 = tpu.memref_slice %arg7[%dma_wait3A_63, %dma_wait3A_70] : memref<256x100xi32, #tpu.memory_space<vmem>> -> memref<1x100xi32, #tpu.memory_space<vmem>>
    %dma_wait3A_72 = tpu.memref_squeeze %dma_wait3A_71 : memref<1x100xi32, #tpu.memory_space<vmem>> -> memref<100xi32, #tpu.memory_space<vmem>>
    %dma_wait3A_73 = arith.constant 0 : i32
    %dma_wait3A_74 = arith.constant 0 : i32
    %dma_wait3A_75 = tpu.memref_slice %arg3[%dma_wait3A_73, %dma_wait3A_74] : memref<100000x128xf32, #tpu.memory_space<hbm>> -> memref<100000x128xf32, #tpu.memory_space<hbm>>
    %dma_wait3A_76 = tpu.memref_slice %arg9[%dma_wait3A_65] : memref<4x!tpu.dma_semaphore, #tpu.memory_space<semaphore_mem>> -> memref<1x!tpu.dma_semaphore, #tpu.memory_space<semaphore_mem>>
    %dma_wait3A_77 = tpu.memref_squeeze %dma_wait3A_76 : memref<1x!tpu.dma_semaphore, #tpu.memory_space<semaphore_mem>> -> memref<!tpu.dma_semaphore, #tpu.memory_space<semaphore_mem>>
    tpu.wait_indirect_dma semaphore(%dma_wait3A_77 : memref<!tpu.dma_semaphore, #tpu.memory_space<semaphore_mem>>) src(%dma_wait3A_75 : memref<100000x128xf32, #tpu.memory_space<hbm>>) dst(%dma_wait3A_69 : memref<100x128xf32, #tpu.memory_space<vmem>>)
    %add3A_78 = arith.constant 0 : i32
    %add3A_79 = arith.addi %mul3A_4, %add3A_78 : i32
    %dma_start3A_80 = arith.constant 0 : i32
    %dma_start3A_81 = arith.constant 0 : i32
    %dma_start3A_82 = arith.constant 0 : i32
    %dma_start3A_83 = arith.constant 0 : i32
    %dma_start3A_84 = tpu.memref_slice %arg8[%dma_start3A_80, %dma_start3A_82, %dma_start3A_83] : memref<2x200x128xf32, #tpu.memory_space<vmem>> -> memref<1x200x128xf32, #tpu.memory_space<vmem>>
    %dma_start3A_85 = tpu.memref_squeeze %dma_start3A_84 : memref<1x200x128xf32, #tpu.memory_space<vmem>> -> memref<200x128xf32, #tpu.memory_space<vmem>>
    %dma_start3A_86 = arith.constant 0 : i32
    %dma_start3A_87 = arith.constant 0 : i32
    %dma_start3A_88 = tpu.memref_slice %arg5[%add3A_79, %dma_start3A_86, %dma_start3A_87] : memref<4096x200x128xf32, #tpu.memory_space<hbm>> -> memref<1x200x128xf32, #tpu.memory_space<hbm>>
    %dma_start3A_89 = tpu.memref_squeeze %dma_start3A_88 : memref<1x200x128xf32, #tpu.memory_space<hbm>> -> memref<200x128xf32, #tpu.memory_space<hbm>>
    %dma_start3A_90 = tpu.memref_slice %arg10[%dma_start3A_81] : memref<2x!tpu.dma_semaphore, #tpu.memory_space<semaphore_mem>> -> memref<1x!tpu.dma_semaphore, #tpu.memory_space<semaphore_mem>>
    %dma_start3A_91 = tpu.memref_squeeze %dma_start3A_90 : memref<1x!tpu.dma_semaphore, #tpu.memory_space<semaphore_mem>> -> memref<!tpu.dma_semaphore, #tpu.memory_space<semaphore_mem>>
    %dma_start3A_92 = arith.constant 0 : i32
    %dma_start3A_93 = arith.constant 0 : i32
    %dma_start3A_94 = tpu.memref_slice %arg5[%add3A_79, %dma_start3A_92, %dma_start3A_93] : memref<4096x200x128xf32, #tpu.memory_space<hbm>> -> memref<1x200x128xf32, #tpu.memory_space<hbm>>
    %dma_start3A_95 = tpu.memref_squeeze %dma_start3A_94 : memref<1x200x128xf32, #tpu.memory_space<hbm>> -> memref<200x128xf32, #tpu.memory_space<hbm>>
    %dma_start3A_96 = arith.constant 0 : i32
    %dma_start3A_97 = arith.constant 0 : i32
    %dma_start3A_98 = tpu.memref_slice %arg8[%dma_start3A_80, %dma_start3A_96, %dma_start3A_97] : memref<2x200x128xf32, #tpu.memory_space<vmem>> -> memref<1x200x128xf32, #tpu.memory_space<vmem>>
    %dma_start3A_99 = tpu.memref_squeeze %dma_start3A_98 : memref<1x200x128xf32, #tpu.memory_space<vmem>> -> memref<200x128xf32, #tpu.memory_space<vmem>>
    tpu.enqueue_dma source(%dma_start3A_99 : memref<200x128xf32, #tpu.memory_space<vmem>>) target(%dma_start3A_95 : memref<200x128xf32, #tpu.memory_space<hbm>>) target_semaphore(%dma_start3A_91 : memref<!tpu.dma_semaphore, #tpu.memory_space<semaphore_mem>>)
    %dma_start3A_100 = arith.constant 3 : i32
    %dma_start3A_101 = arith.constant 1 : i32
    %dma_start3A_102 = arith.constant 3 : i32
    %dma_start3A_103 = arith.constant 100 : i32
    %dma_start3A_104 = arith.constant 0 : i32
    %dma_start3A_105 = tpu.memref_slice %arg8[%dma_start3A_101, %dma_start3A_103, %dma_start3A_104] : memref<2x200x128xf32, #tpu.memory_space<vmem>> -> memref<1x100x128xf32, #tpu.memory_space<vmem>>
    %dma_start3A_106 = tpu.memref_squeeze %dma_start3A_105 : memref<1x100x128xf32, #tpu.memory_space<vmem>> -> memref<100x128xf32, #tpu.memory_space<vmem>>
    %dma_start3A_107 = arith.constant 0 : i32
    %dma_start3A_108 = tpu.memref_slice %arg7[%dma_start3A_100, %dma_start3A_107] : memref<256x100xi32, #tpu.memory_space<vmem>> -> memref<1x100xi32, #tpu.memory_space<vmem>>
    %dma_start3A_109 = tpu.memref_squeeze %dma_start3A_108 : memref<1x100xi32, #tpu.memory_space<vmem>> -> memref<100xi32, #tpu.memory_space<vmem>>
    %dma_start3A_110 = arith.constant 0 : i32
    %dma_start3A_111 = arith.constant 0 : i32
    %dma_start3A_112 = tpu.memref_slice %arg3[%dma_start3A_110, %dma_start3A_111] : memref<100000x128xf32, #tpu.memory_space<hbm>> -> memref<100000x128xf32, #tpu.memory_space<hbm>>
    %dma_start3A_113 = tpu.memref_slice %arg9[%dma_start3A_102] : memref<4x!tpu.dma_semaphore, #tpu.memory_space<semaphore_mem>> -> memref<1x!tpu.dma_semaphore, #tpu.memory_space<semaphore_mem>>
    %dma_start3A_114 = tpu.memref_squeeze %dma_start3A_113 : memref<1x!tpu.dma_semaphore, #tpu.memory_space<semaphore_mem>> -> memref<!tpu.dma_semaphore, #tpu.memory_space<semaphore_mem>>
    tpu.enqueue_indirect_dma source(%dma_start3A_112 : memref<100000x128xf32, #tpu.memory_space<hbm>>) target(%dma_start3A_106 : memref<100x128xf32, #tpu.memory_space<vmem>>) offsets(%dma_start3A_109 : memref<100xi32, #tpu.memory_space<vmem>>) semaphore(%dma_start3A_114 : memref<!tpu.dma_semaphore, #tpu.memory_space<semaphore_mem>>)
    %dma_wait3A_115 = arith.constant 2 : i32
    %dma_wait3A_116 = arith.constant 1 : i32
    %dma_wait3A_117 = arith.constant 2 : i32
    %dma_wait3A_118 = arith.constant 0 : i32
    %dma_wait3A_119 = arith.constant 0 : i32
    %dma_wait3A_120 = tpu.memref_slice %arg8[%dma_wait3A_116, %dma_wait3A_118, %dma_wait3A_119] : memref<2x200x128xf32, #tpu.memory_space<vmem>> -> memref<1x100x128xf32, #tpu.memory_space<vmem>>
    %dma_wait3A_121 = tpu.memref_squeeze %dma_wait3A_120 : memref<1x100x128xf32, #tpu.memory_space<vmem>> -> memref<100x128xf32, #tpu.memory_space<vmem>>
    %dma_wait3A_122 = arith.constant 0 : i32
    %dma_wait3A_123 = tpu.memref_slice %arg7[%dma_wait3A_115, %dma_wait3A_122] : memref<256x100xi32, #tpu.memory_space<vmem>> -> memref<1x100xi32, #tpu.memory_space<vmem>>
    %dma_wait3A_124 = tpu.memref_squeeze %dma_wait3A_123 : memref<1x100xi32, #tpu.memory_space<vmem>> -> memref<100xi32, #tpu.memory_space<vmem>>
    %dma_wait3A_125 = arith.constant 0 : i32
    %dma_wait3A_126 = arith.constant 0 : i32
    %dma_wait3A_127 = tpu.memref_slice %arg3[%dma_wait3A_125, %dma_wait3A_126] : memref<100000x128xf32, #tpu.memory_space<hbm>> -> memref<100000x128xf32, #tpu.memory_space<hbm>>
    %dma_wait3A_128 = tpu.memref_slice %arg9[%dma_wait3A_117] : memref<4x!tpu.dma_semaphore, #tpu.memory_space<semaphore_mem>> -> memref<1x!tpu.dma_semaphore, #tpu.memory_space<semaphore_mem>>
    %dma_wait3A_129 = tpu.memref_squeeze %dma_wait3A_128 : memref<1x!tpu.dma_semaphore, #tpu.memory_space<semaphore_mem>> -> memref<!tpu.dma_semaphore, #tpu.memory_space<semaphore_mem>>
    tpu.wait_indirect_dma semaphore(%dma_wait3A_129 : memref<!tpu.dma_semaphore, #tpu.memory_space<semaphore_mem>>) src(%dma_wait3A_127 : memref<100000x128xf32, #tpu.memory_space<hbm>>) dst(%dma_wait3A_121 : memref<100x128xf32, #tpu.memory_space<vmem>>)
    %add3A_130 = arith.constant 0 : i32
    %add3A_131 = arith.addi %mul3A_4, %add3A_130 : i32
    %dma_wait3A_132 = arith.constant 0 : i32
    %dma_wait3A_133 = arith.constant 0 : i32
    %dma_wait3A_134 = arith.constant 0 : i32
    %dma_wait3A_135 = arith.constant 0 : i32
    %dma_wait3A_136 = tpu.memref_slice %arg8[%dma_wait3A_132, %dma_wait3A_134, %dma_wait3A_135] : memref<2x200x128xf32, #tpu.memory_space<vmem>> -> memref<1x200x128xf32, #tpu.memory_space<vmem>>
    %dma_wait3A_137 = tpu.memref_squeeze %dma_wait3A_136 : memref<1x200x128xf32, #tpu.memory_space<vmem>> -> memref<200x128xf32, #tpu.memory_space<vmem>>
    %dma_wait3A_138 = arith.constant 0 : i32
    %dma_wait3A_139 = arith.constant 0 : i32
    %dma_wait3A_140 = tpu.memref_slice %arg5[%add3A_131, %dma_wait3A_138, %dma_wait3A_139] : memref<4096x200x128xf32, #tpu.memory_space<hbm>> -> memref<1x200x128xf32, #tpu.memory_space<hbm>>
    %dma_wait3A_141 = tpu.memref_squeeze %dma_wait3A_140 : memref<1x200x128xf32, #tpu.memory_space<hbm>> -> memref<200x128xf32, #tpu.memory_space<hbm>>
    %dma_wait3A_142 = tpu.memref_slice %arg10[%dma_wait3A_133] : memref<2x!tpu.dma_semaphore, #tpu.memory_space<semaphore_mem>> -> memref<1x!tpu.dma_semaphore, #tpu.memory_space<semaphore_mem>>
    %dma_wait3A_143 = tpu.memref_squeeze %dma_wait3A_142 : memref<1x!tpu.dma_semaphore, #tpu.memory_space<semaphore_mem>> -> memref<!tpu.dma_semaphore, #tpu.memory_space<semaphore_mem>>
    %dma_wait3A_144 = arith.constant 0 : i32
    %dma_wait3A_145 = arith.constant 0 : i32
    %dma_wait3A_146 = tpu.memref_slice %arg5[%add3A_131, %dma_wait3A_144, %dma_wait3A_145] : memref<4096x200x128xf32, #tpu.memory_space<hbm>> -> memref<1x200x128xf32, #tpu.memory_space<hbm>>
    %dma_wait3A_147 = tpu.memref_squeeze %dma_wait3A_146 : memref<1x200x128xf32, #tpu.memory_space<hbm>> -> memref<200x128xf32, #tpu.memory_space<hbm>>
    %dma_wait3A_148 = arith.constant 0 : i32
    %dma_wait3A_149 = arith.constant 0 : i32
    %dma_wait3A_150 = tpu.memref_slice %arg8[%dma_wait3A_132, %dma_wait3A_148, %dma_wait3A_149] : memref<2x200x128xf32, #tpu.memory_space<vmem>> -> memref<1x200x128xf32, #tpu.memory_space<vmem>>
    %dma_wait3A_151 = tpu.memref_squeeze %dma_wait3A_150 : memref<1x200x128xf32, #tpu.memory_space<vmem>> -> memref<200x128xf32, #tpu.memory_space<vmem>>
    tpu.wait_dma2 semaphore(%dma_wait3A_143 : memref<!tpu.dma_semaphore, #tpu.memory_space<semaphore_mem>>) src(%dma_wait3A_151 : memref<200x128xf32, #tpu.memory_space<vmem>>) dst(%dma_wait3A_147 : memref<200x128xf32, #tpu.memory_space<hbm>>)
    %dma_start3A_152 = arith.constant 4 : i32
    %dma_start3A_153 = arith.constant 0 : i32
    %dma_start3A_154 = arith.constant 0 : i32
    %dma_start3A_155 = arith.constant 0 : i32
    %dma_start3A_156 = arith.constant 0 : i32
    %dma_start3A_157 = tpu.memref_slice %arg8[%dma_start3A_153, %dma_start3A_155, %dma_start3A_156] : memref<2x200x128xf32, #tpu.memory_space<vmem>> -> memref<1x100x128xf32, #tpu.memory_space<vmem>>
    %dma_start3A_158 = tpu.memref_squeeze %dma_start3A_157 : memref<1x100x128xf32, #tpu.memory_space<vmem>> -> memref<100x128xf32, #tpu.memory_space<vmem>>
    %dma_start3A_159 = arith.constant 0 : i32
    %dma_start3A_160 = tpu.memref_slice %arg7[%dma_start3A_152, %dma_start3A_159] : memref<256x100xi32, #tpu.memory_space<vmem>> -> memref<1x100xi32, #tpu.memory_space<vmem>>
    %dma_start3A_161 = tpu.memref_squeeze %dma_start3A_160 : memref<1x100xi32, #tpu.memory_space<vmem>> -> memref<100xi32, #tpu.memory_space<vmem>>
    %dma_start3A_162 = arith.constant 0 : i32
    %dma_start3A_163 = arith.constant 0 : i32
    %dma_start3A_164 = tpu.memref_slice %arg3[%dma_start3A_162, %dma_start3A_163] : memref<100000x128xf32, #tpu.memory_space<hbm>> -> memref<100000x128xf32, #tpu.memory_space<hbm>>
    %dma_start3A_165 = tpu.memref_slice %arg9[%dma_start3A_154] : memref<4x!tpu.dma_semaphore, #tpu.memory_space<semaphore_mem>> -> memref<1x!tpu.dma_semaphore, #tpu.memory_space<semaphore_mem>>
    %dma_start3A_166 = tpu.memref_squeeze %dma_start3A_165 : memref<1x!tpu.dma_semaphore, #tpu.memory_space<semaphore_mem>> -> memref<!tpu.dma_semaphore, #tpu.memory_space<semaphore_mem>>
    tpu.enqueue_indirect_dma source(%dma_start3A_164 : memref<100000x128xf32, #tpu.memory_space<hbm>>) target(%dma_start3A_158 : memref<100x128xf32, #tpu.memory_space<vmem>>) offsets(%dma_start3A_161 : memref<100xi32, #tpu.memory_space<vmem>>) semaphore(%dma_start3A_166 : memref<!tpu.dma_semaphore, #tpu.memory_space<semaphore_mem>>)
    %dma_wait3A_167 = arith.constant 3 : i32
    %dma_wait3A_168 = arith.constant 1 : i32
    %dma_wait3A_169 = arith.constant 3 : i32
    %dma_wait3A_170 = arith.constant 100 : i32
    %dma_wait3A_171 = arith.constant 0 : i32
    %dma_wait3A_172 = tpu.memref_slice %arg8[%dma_wait3A_168, %dma_wait3A_170, %dma_wait3A_171] : memref<2x200x128xf32, #tpu.memory_space<vmem>> -> memref<1x100x128xf32, #tpu.memory_space<vmem>>
    %dma_wait3A_173 = tpu.memref_squeeze %dma_wait3A_172 : memref<1x100x128xf32, #tpu.memory_space<vmem>> -> memref<100x128xf32, #tpu.memory_space<vmem>>
    %dma_wait3A_174 = arith.constant 0 : i32
    %dma_wait3A_175 = tpu.memref_slice %arg7[%dma_wait3A_167, %dma_wait3A_174] : memref<256x100xi32, #tpu.memory_space<vmem>> -> memref<1x100xi32, #tpu.memory_space<vmem>>
    %dma_wait3A_176 = tpu.memref_squeeze %dma_wait3A_175 : memref<1x100xi32, #tpu.memory_space<vmem>> -> memref<100xi32, #tpu.memory_space<vmem>>
    %dma_wait3A_177 = arith.constant 0 : i32
    %dma_wait3A_178 = arith.constant 0 : i32
    %dma_wait3A_179 = tpu.memref_slice %arg3[%dma_wait3A_177, %dma_wait3A_178] : memref<100000x128xf32, #tpu.memory_space<hbm>> -> memref<100000x128xf32, #tpu.memory_space<hbm>>
    %dma_wait3A_180 = tpu.memref_slice %arg9[%dma_wait3A_169] : memref<4x!tpu.dma_semaphore, #tpu.memory_space<semaphore_mem>> -> memref<1x!tpu.dma_semaphore, #tpu.memory_space<semaphore_mem>>
    %dma_wait3A_181 = tpu.memref_squeeze %dma_wait3A_180 : memref<1x!tpu.dma_semaphore, #tpu.memory_space<semaphore_mem>> -> memref<!tpu.dma_semaphore, #tpu.memory_space<semaphore_mem>>
    tpu.wait_indirect_dma semaphore(%dma_wait3A_181 : memref<!tpu.dma_semaphore, #tpu.memory_space<semaphore_mem>>) src(%dma_wait3A_179 : memref<100000x128xf32, #tpu.memory_space<hbm>>) dst(%dma_wait3A_173 : memref<100x128xf32, #tpu.memory_space<vmem>>)
    %add3A_182 = arith.constant 1 : i32
    %add3A_183 = arith.addi %mul3A_4, %add3A_182 : i32
    %dma_start3A_184 = arith.constant 1 : i32
    %dma_start3A_185 = arith.constant 1 : i32
    %dma_start3A_186 = arith.constant 0 : i32
    %dma_start3A_187 = arith.constant 0 : i32
    %dma_start3A_188 = tpu.memref_slice %arg8[%dma_start3A_184, %dma_start3A_186, %dma_start3A_187] : memref<2x200x128xf32, #tpu.memory_space<vmem>> -> memref<1x200x128xf32, #tpu.memory_space<vmem>>
    %dma_start3A_189 = tpu.memref_squeeze %dma_start3A_188 : memref<1x200x128xf32, #tpu.memory_space<vmem>> -> memref<200x128xf32, #tpu.memory_space<vmem>>
    %dma_start3A_190 = arith.constant 0 : i32
    %dma_start3A_191 = arith.constant 0 : i32
    %dma_start3A_192 = tpu.memref_slice %arg5[%add3A_183, %dma_start3A_190, %dma_start3A_191] : memref<4096x200x128xf32, #tpu.memory_space<hbm>> -> memref<1x200x128xf32, #tpu.memory_space<hbm>>
    %dma_start3A_193 = tpu.memref_squeeze %dma_start3A_192 : memref<1x200x128xf32, #tpu.memory_space<hbm>> -> memref<200x128xf32, #tpu.memory_space<hbm>>
    %dma_start3A_194 = tpu.memref_slice %arg10[%dma_start3A_185] : memref<2x!tpu.dma_semaphore, #tpu.memory_space<semaphore_mem>> -> memref<1x!tpu.dma_semaphore, #tpu.memory_space<semaphore_mem>>
    %dma_start3A_195 = tpu.memref_squeeze %dma_start3A_194 : memref<1x!tpu.dma_semaphore, #tpu.memory_space<semaphore_mem>> -> memref<!tpu.dma_semaphore, #tpu.memory_space<semaphore_mem>>
    %dma_start3A_196 = arith.constant 0 : i32
    %dma_start3A_197 = arith.constant 0 : i32
    %dma_start3A_198 = tpu.memref_slice %arg5[%add3A_183, %dma_start3A_196, %dma_start3A_197] : memref<4096x200x128xf32, #tpu.memory_space<hbm>> -> memref<1x200x128xf32, #tpu.memory_space<hbm>>
    %dma_start3A_199 = tpu.memref_squeeze %dma_start3A_198 : memref<1x200x128xf32, #tpu.memory_space<hbm>> -> memref<200x128xf32, #tpu.memory_space<hbm>>
    %dma_start3A_200 = arith.constant 0 : i32
    %dma_start3A_201 = arith.constant 0 : i32
    %dma_start3A_202 = tpu.memref_slice %arg8[%dma_start3A_184, %dma_start3A_200, %dma_start3A_201] : memref<2x200x128xf32, #tpu.memory_space<vmem>> -> memref<1x200x128xf32, #tpu.memory_space<vmem>>
    %dma_start3A_203 = tpu.memref_squeeze %dma_start3A_202 : memref<1x200x128xf32, #tpu.memory_space<vmem>> -> memref<200x128xf32, #tpu.memory_space<vmem>>
    tpu.enqueue_dma source(%dma_start3A_203 : memref<200x128xf32, #tpu.memory_space<vmem>>) target(%dma_start3A_199 : memref<200x128xf32, #tpu.memory_space<hbm>>) target_semaphore(%dma_start3A_195 : memref<!tpu.dma_semaphore, #tpu.memory_space<semaphore_mem>>)
    %dma_start3A_204 = arith.constant 5 : i32
    %dma_start3A_205 = arith.constant 0 : i32
    %dma_start3A_206 = arith.constant 1 : i32
    %dma_start3A_207 = arith.constant 100 : i32
    %dma_start3A_208 = arith.constant 0 : i32
    %dma_start3A_209 = tpu.memref_slice %arg8[%dma_start3A_205, %dma_start3A_207, %dma_start3A_208] : memref<2x200x128xf32, #tpu.memory_space<vmem>> -> memref<1x100x128xf32, #tpu.memory_space<vmem>>
    %dma_start3A_210 = tpu.memref_squeeze %dma_start3A_209 : memref<1x100x128xf32, #tpu.memory_space<vmem>> -> memref<100x128xf32, #tpu.memory_space<vmem>>
    %dma_start3A_211 = arith.constant 0 : i32
    %dma_start3A_212 = tpu.memref_slice %arg7[%dma_start3A_204, %dma_start3A_211] : memref<256x100xi32, #tpu.memory_space<vmem>> -> memref<1x100xi32, #tpu.memory_space<vmem>>
    %dma_start3A_213 = tpu.memref_squeeze %dma_start3A_212 : memref<1x100xi32, #tpu.memory_space<vmem>> -> memref<100xi32, #tpu.memory_space<vmem>>
    %dma_start3A_214 = arith.constant 0 : i32
    %dma_start3A_215 = arith.constant 0 : i32
    %dma_start3A_216 = tpu.memref_slice %arg3[%dma_start3A_214, %dma_start3A_215] : memref<100000x128xf32, #tpu.memory_space<hbm>> -> memref<100000x128xf32, #tpu.memory_space<hbm>>
    %dma_start3A_217 = tpu.memref_slice %arg9[%dma_start3A_206] : memref<4x!tpu.dma_semaphore, #tpu.memory_space<semaphore_mem>> -> memref<1x!tpu.dma_semaphore, #tpu.memory_space<semaphore_mem>>
    %dma_start3A_218 = tpu.memref_squeeze %dma_start3A_217 : memref<1x!tpu.dma_semaphore, #tpu.memory_space<semaphore_mem>> -> memref<!tpu.dma_semaphore, #tpu.memory_space<semaphore_mem>>
    tpu.enqueue_indirect_dma source(%dma_start3A_216 : memref<100000x128xf32, #tpu.memory_space<hbm>>) target(%dma_start3A_210 : memref<100x128xf32, #tpu.memory_space<vmem>>) offsets(%dma_start3A_213 : memref<100xi32, #tpu.memory_space<vmem>>) semaphore(%dma_start3A_218 : memref<!tpu.dma_semaphore, #tpu.memory_space<semaphore_mem>>)
    %scan3A = arith.constant 0 : i32
    %scan3A_219 = arith.constant 1 : i32
    %scan3A_220 = arith.constant 62 : i32
    %scan3A_221 = arith.addi %scan3A_219, %scan3A_220 : i32
    %scan3A_222 = arith.constant 1 : i32
    %scan3A_223 = scf.for %scan3A_425 = %scan3A_219 to %scan3A_221 step %scan3A_222 iter_args(%scan3A_426 = %scan3A) -> (i32)  : i32 {
      %mul3A_427 = arith.constant 4 : i32
      %mul3A_428 = arith.muli %mul3A_427, %scan3A_425 : i32
      %add3A_429 = arith.constant 0 : i32
      %add3A_430 = arith.addi %mul3A_428, %add3A_429 : i32
      %dma_wait3A_431 = arith.constant 0 : i32
      %dma_wait3A_432 = arith.constant 0 : i32
      %dma_wait3A_433 = arith.constant 0 : i32
      %dma_wait3A_434 = arith.constant 0 : i32
      %dma_wait3A_435 = tpu.memref_slice %arg8[%dma_wait3A_431, %dma_wait3A_433, %dma_wait3A_434] : memref<2x200x128xf32, #tpu.memory_space<vmem>> -> memref<1x100x128xf32, #tpu.memory_space<vmem>>
      %dma_wait3A_436 = tpu.memref_squeeze %dma_wait3A_435 : memref<1x100x128xf32, #tpu.memory_space<vmem>> -> memref<100x128xf32, #tpu.memory_space<vmem>>
      %dma_wait3A_437 = arith.constant 0 : i32
      %dma_wait3A_438 = tpu.memref_slice %arg7[%add3A_430, %dma_wait3A_437] : memref<256x100xi32, #tpu.memory_space<vmem>> -> memref<1x100xi32, #tpu.memory_space<vmem>>
      %dma_wait3A_439 = tpu.memref_squeeze %dma_wait3A_438 : memref<1x100xi32, #tpu.memory_space<vmem>> -> memref<100xi32, #tpu.memory_space<vmem>>
      %dma_wait3A_440 = arith.constant 0 : i32
      %dma_wait3A_441 = arith.constant 0 : i32
      %dma_wait3A_442 = tpu.memref_slice %arg3[%dma_wait3A_440, %dma_wait3A_441] : memref<100000x128xf32, #tpu.memory_space<hbm>> -> memref<100000x128xf32, #tpu.memory_space<hbm>>
      %dma_wait3A_443 = tpu.memref_slice %arg9[%dma_wait3A_432] : memref<4x!tpu.dma_semaphore, #tpu.memory_space<semaphore_mem>> -> memref<1x!tpu.dma_semaphore, #tpu.memory_space<semaphore_mem>>
      %dma_wait3A_444 = tpu.memref_squeeze %dma_wait3A_443 : memref<1x!tpu.dma_semaphore, #tpu.memory_space<semaphore_mem>> -> memref<!tpu.dma_semaphore, #tpu.memory_space<semaphore_mem>>
      tpu.wait_indirect_dma semaphore(%dma_wait3A_444 : memref<!tpu.dma_semaphore, #tpu.memory_space<semaphore_mem>>) src(%dma_wait3A_442 : memref<100000x128xf32, #tpu.memory_space<hbm>>) dst(%dma_wait3A_436 : memref<100x128xf32, #tpu.memory_space<vmem>>)
      %mul3A_445 = arith.constant 2 : i32
      %mul3A_446 = arith.muli %mul3A_445, %scan3A_425 : i32
      %sub3A = arith.constant 1 : i32
      %sub3A_447 = arith.subi %mul3A_446, %sub3A : i32
      %add3A_448 = arith.addi %mul3A_4, %sub3A_447 : i32
      %dma_wait3A_449 = arith.constant 1 : i32
      %dma_wait3A_450 = arith.constant 1 : i32
      %dma_wait3A_451 = arith.constant 0 : i32
      %dma_wait3A_452 = arith.constant 0 : i32
      %dma_wait3A_453 = tpu.memref_slice %arg8[%dma_wait3A_449, %dma_wait3A_451, %dma_wait3A_452] : memref<2x200x128xf32, #tpu.memory_space<vmem>> -> memref<1x200x128xf32, #tpu.memory_space<vmem>>
      %dma_wait3A_454 = tpu.memref_squeeze %dma_wait3A_453 : memref<1x200x128xf32, #tpu.memory_space<vmem>> -> memref<200x128xf32, #tpu.memory_space<vmem>>
      %dma_wait3A_455 = arith.constant 0 : i32
      %dma_wait3A_456 = arith.constant 0 : i32
      %dma_wait3A_457 = tpu.memref_slice %arg5[%add3A_448, %dma_wait3A_455, %dma_wait3A_456] : memref<4096x200x128xf32, #tpu.memory_space<hbm>> -> memref<1x200x128xf32, #tpu.memory_space<hbm>>
      %dma_wait3A_458 = tpu.memref_squeeze %dma_wait3A_457 : memref<1x200x128xf32, #tpu.memory_space<hbm>> -> memref<200x128xf32, #tpu.memory_space<hbm>>
      %dma_wait3A_459 = tpu.memref_slice %arg10[%dma_wait3A_450] : memref<2x!tpu.dma_semaphore, #tpu.memory_space<semaphore_mem>> -> memref<1x!tpu.dma_semaphore, #tpu.memory_space<semaphore_mem>>
      %dma_wait3A_460 = tpu.memref_squeeze %dma_wait3A_459 : memref<1x!tpu.dma_semaphore, #tpu.memory_space<semaphore_mem>> -> memref<!tpu.dma_semaphore, #tpu.memory_space<semaphore_mem>>
      %dma_wait3A_461 = arith.constant 0 : i32
      %dma_wait3A_462 = arith.constant 0 : i32
      %dma_wait3A_463 = tpu.memref_slice %arg5[%add3A_448, %dma_wait3A_461, %dma_wait3A_462] : memref<4096x200x128xf32, #tpu.memory_space<hbm>> -> memref<1x200x128xf32, #tpu.memory_space<hbm>>
      %dma_wait3A_464 = tpu.memref_squeeze %dma_wait3A_463 : memref<1x200x128xf32, #tpu.memory_space<hbm>> -> memref<200x128xf32, #tpu.memory_space<hbm>>
      %dma_wait3A_465 = arith.constant 0 : i32
      %dma_wait3A_466 = arith.constant 0 : i32
      %dma_wait3A_467 = tpu.memref_slice %arg8[%dma_wait3A_449, %dma_wait3A_465, %dma_wait3A_466] : memref<2x200x128xf32, #tpu.memory_space<vmem>> -> memref<1x200x128xf32, #tpu.memory_space<vmem>>
      %dma_wait3A_468 = tpu.memref_squeeze %dma_wait3A_467 : memref<1x200x128xf32, #tpu.memory_space<vmem>> -> memref<200x128xf32, #tpu.memory_space<vmem>>
      tpu.wait_dma2 semaphore(%dma_wait3A_460 : memref<!tpu.dma_semaphore, #tpu.memory_space<semaphore_mem>>) src(%dma_wait3A_468 : memref<200x128xf32, #tpu.memory_space<vmem>>) dst(%dma_wait3A_464 : memref<200x128xf32, #tpu.memory_space<hbm>>)
      %add3A_469 = arith.constant 2 : i32
      %add3A_470 = arith.addi %add3A_430, %add3A_469 : i32
      %dma_start3A_471 = arith.constant 1 : i32
      %dma_start3A_472 = arith.constant 2 : i32
      %dma_start3A_473 = arith.constant 0 : i32
      %dma_start3A_474 = arith.constant 0 : i32
      %dma_start3A_475 = tpu.memref_slice %arg8[%dma_start3A_471, %dma_start3A_473, %dma_start3A_474] : memref<2x200x128xf32, #tpu.memory_space<vmem>> -> memref<1x100x128xf32, #tpu.memory_space<vmem>>
      %dma_start3A_476 = tpu.memref_squeeze %dma_start3A_475 : memref<1x100x128xf32, #tpu.memory_space<vmem>> -> memref<100x128xf32, #tpu.memory_space<vmem>>
      %dma_start3A_477 = arith.constant 0 : i32
      %dma_start3A_478 = tpu.memref_slice %arg7[%add3A_470, %dma_start3A_477] : memref<256x100xi32, #tpu.memory_space<vmem>> -> memref<1x100xi32, #tpu.memory_space<vmem>>
      %dma_start3A_479 = tpu.memref_squeeze %dma_start3A_478 : memref<1x100xi32, #tpu.memory_space<vmem>> -> memref<100xi32, #tpu.memory_space<vmem>>
      %dma_start3A_480 = arith.constant 0 : i32
      %dma_start3A_481 = arith.constant 0 : i32
      %dma_start3A_482 = tpu.memref_slice %arg3[%dma_start3A_480, %dma_start3A_481] : memref<100000x128xf32, #tpu.memory_space<hbm>> -> memref<100000x128xf32, #tpu.memory_space<hbm>>
      %dma_start3A_483 = tpu.memref_slice %arg9[%dma_start3A_472] : memref<4x!tpu.dma_semaphore, #tpu.memory_space<semaphore_mem>> -> memref<1x!tpu.dma_semaphore, #tpu.memory_space<semaphore_mem>>
      %dma_start3A_484 = tpu.memref_squeeze %dma_start3A_483 : memref<1x!tpu.dma_semaphore, #tpu.memory_space<semaphore_mem>> -> memref<!tpu.dma_semaphore, #tpu.memory_space<semaphore_mem>>
      tpu.enqueue_indirect_dma source(%dma_start3A_482 : memref<100000x128xf32, #tpu.memory_space<hbm>>) target(%dma_start3A_476 : memref<100x128xf32, #tpu.memory_space<vmem>>) offsets(%dma_start3A_479 : memref<100xi32, #tpu.memory_space<vmem>>) semaphore(%dma_start3A_484 : memref<!tpu.dma_semaphore, #tpu.memory_space<semaphore_mem>>)
      %mul3A_485 = arith.constant 4 : i32
      %mul3A_486 = arith.muli %mul3A_485, %scan3A_425 : i32
      %add3A_487 = arith.constant 1 : i32
      %add3A_488 = arith.addi %mul3A_486, %add3A_487 : i32
      %dma_wait3A_489 = arith.constant 0 : i32
      %dma_wait3A_490 = arith.constant 1 : i32
      %dma_wait3A_491 = arith.constant 100 : i32
      %dma_wait3A_492 = arith.constant 0 : i32
      %dma_wait3A_493 = tpu.memref_slice %arg8[%dma_wait3A_489, %dma_wait3A_491, %dma_wait3A_492] : memref<2x200x128xf32, #tpu.memory_space<vmem>> -> memref<1x100x128xf32, #tpu.memory_space<vmem>>
      %dma_wait3A_494 = tpu.memref_squeeze %dma_wait3A_493 : memref<1x100x128xf32, #tpu.memory_space<vmem>> -> memref<100x128xf32, #tpu.memory_space<vmem>>
      %dma_wait3A_495 = arith.constant 0 : i32
      %dma_wait3A_496 = tpu.memref_slice %arg7[%add3A_488, %dma_wait3A_495] : memref<256x100xi32, #tpu.memory_space<vmem>> -> memref<1x100xi32, #tpu.memory_space<vmem>>
      %dma_wait3A_497 = tpu.memref_squeeze %dma_wait3A_496 : memref<1x100xi32, #tpu.memory_space<vmem>> -> memref<100xi32, #tpu.memory_space<vmem>>
      %dma_wait3A_498 = arith.constant 0 : i32
      %dma_wait3A_499 = arith.constant 0 : i32
      %dma_wait3A_500 = tpu.memref_slice %arg3[%dma_wait3A_498, %dma_wait3A_499] : memref<100000x128xf32, #tpu.memory_space<hbm>> -> memref<100000x128xf32, #tpu.memory_space<hbm>>
      %dma_wait3A_501 = tpu.memref_slice %arg9[%dma_wait3A_490] : memref<4x!tpu.dma_semaphore, #tpu.memory_space<semaphore_mem>> -> memref<1x!tpu.dma_semaphore, #tpu.memory_space<semaphore_mem>>
      %dma_wait3A_502 = tpu.memref_squeeze %dma_wait3A_501 : memref<1x!tpu.dma_semaphore, #tpu.memory_space<semaphore_mem>> -> memref<!tpu.dma_semaphore, #tpu.memory_space<semaphore_mem>>
      tpu.wait_indirect_dma semaphore(%dma_wait3A_502 : memref<!tpu.dma_semaphore, #tpu.memory_space<semaphore_mem>>) src(%dma_wait3A_500 : memref<100000x128xf32, #tpu.memory_space<hbm>>) dst(%dma_wait3A_494 : memref<100x128xf32, #tpu.memory_space<vmem>>)
      %mul3A_503 = arith.constant 2 : i32
      %mul3A_504 = arith.muli %mul3A_503, %scan3A_425 : i32
      %add3A_505 = arith.constant 0 : i32
      %add3A_506 = arith.addi %mul3A_504, %add3A_505 : i32
      %add3A_507 = arith.addi %mul3A_4, %add3A_506 : i32
      %dma_start3A_508 = arith.constant 0 : i32
      %dma_start3A_509 = arith.constant 0 : i32
      %dma_start3A_510 = arith.constant 0 : i32
      %dma_start3A_511 = arith.constant 0 : i32
      %dma_start3A_512 = tpu.memref_slice %arg8[%dma_start3A_508, %dma_start3A_510, %dma_start3A_511] : memref<2x200x128xf32, #tpu.memory_space<vmem>> -> memref<1x200x128xf32, #tpu.memory_space<vmem>>
      %dma_start3A_513 = tpu.memref_squeeze %dma_start3A_512 : memref<1x200x128xf32, #tpu.memory_space<vmem>> -> memref<200x128xf32, #tpu.memory_space<vmem>>
      %dma_start3A_514 = arith.constant 0 : i32
      %dma_start3A_515 = arith.constant 0 : i32
      %dma_start3A_516 = tpu.memref_slice %arg5[%add3A_507, %dma_start3A_514, %dma_start3A_515] : memref<4096x200x128xf32, #tpu.memory_space<hbm>> -> memref<1x200x128xf32, #tpu.memory_space<hbm>>
      %dma_start3A_517 = tpu.memref_squeeze %dma_start3A_516 : memref<1x200x128xf32, #tpu.memory_space<hbm>> -> memref<200x128xf32, #tpu.memory_space<hbm>>
      %dma_start3A_518 = tpu.memref_slice %arg10[%dma_start3A_509] : memref<2x!tpu.dma_semaphore, #tpu.memory_space<semaphore_mem>> -> memref<1x!tpu.dma_semaphore, #tpu.memory_space<semaphore_mem>>
      %dma_start3A_519 = tpu.memref_squeeze %dma_start3A_518 : memref<1x!tpu.dma_semaphore, #tpu.memory_space<semaphore_mem>> -> memref<!tpu.dma_semaphore, #tpu.memory_space<semaphore_mem>>
      %dma_start3A_520 = arith.constant 0 : i32
      %dma_start3A_521 = arith.constant 0 : i32
      %dma_start3A_522 = tpu.memref_slice %arg5[%add3A_507, %dma_start3A_520, %dma_start3A_521] : memref<4096x200x128xf32, #tpu.memory_space<hbm>> -> memref<1x200x128xf32, #tpu.memory_space<hbm>>
      %dma_start3A_523 = tpu.memref_squeeze %dma_start3A_522 : memref<1x200x128xf32, #tpu.memory_space<hbm>> -> memref<200x128xf32, #tpu.memory_space<hbm>>
      %dma_start3A_524 = arith.constant 0 : i32
      %dma_start3A_525 = arith.constant 0 : i32
      %dma_start3A_526 = tpu.memref_slice %arg8[%dma_start3A_508, %dma_start3A_524, %dma_start3A_525] : memref<2x200x128xf32, #tpu.memory_space<vmem>> -> memref<1x200x128xf32, #tpu.memory_space<vmem>>
      %dma_start3A_527 = tpu.memref_squeeze %dma_start3A_526 : memref<1x200x128xf32, #tpu.memory_space<vmem>> -> memref<200x128xf32, #tpu.memory_space<vmem>>
      tpu.enqueue_dma source(%dma_start3A_527 : memref<200x128xf32, #tpu.memory_space<vmem>>) target(%dma_start3A_523 : memref<200x128xf32, #tpu.memory_space<hbm>>) target_semaphore(%dma_start3A_519 : memref<!tpu.dma_semaphore, #tpu.memory_space<semaphore_mem>>)
      %add3A_528 = arith.constant 2 : i32
      %add3A_529 = arith.addi %add3A_488, %add3A_528 : i32
      %dma_start3A_530 = arith.constant 1 : i32
      %dma_start3A_531 = arith.constant 3 : i32
      %dma_start3A_532 = arith.constant 100 : i32
      %dma_start3A_533 = arith.constant 0 : i32
      %dma_start3A_534 = tpu.memref_slice %arg8[%dma_start3A_530, %dma_start3A_532, %dma_start3A_533] : memref<2x200x128xf32, #tpu.memory_space<vmem>> -> memref<1x100x128xf32, #tpu.memory_space<vmem>>
      %dma_start3A_535 = tpu.memref_squeeze %dma_start3A_534 : memref<1x100x128xf32, #tpu.memory_space<vmem>> -> memref<100x128xf32, #tpu.memory_space<vmem>>
      %dma_start3A_536 = arith.constant 0 : i32
      %dma_start3A_537 = tpu.memref_slice %arg7[%add3A_529, %dma_start3A_536] : memref<256x100xi32, #tpu.memory_space<vmem>> -> memref<1x100xi32, #tpu.memory_space<vmem>>
      %dma_start3A_538 = tpu.memref_squeeze %dma_start3A_537 : memref<1x100xi32, #tpu.memory_space<vmem>> -> memref<100xi32, #tpu.memory_space<vmem>>
      %dma_start3A_539 = arith.constant 0 : i32
      %dma_start3A_540 = arith.constant 0 : i32
      %dma_start3A_541 = tpu.memref_slice %arg3[%dma_start3A_539, %dma_start3A_540] : memref<100000x128xf32, #tpu.memory_space<hbm>> -> memref<100000x128xf32, #tpu.memory_space<hbm>>
      %dma_start3A_542 = tpu.memref_slice %arg9[%dma_start3A_531] : memref<4x!tpu.dma_semaphore, #tpu.memory_space<semaphore_mem>> -> memref<1x!tpu.dma_semaphore, #tpu.memory_space<semaphore_mem>>
      %dma_start3A_543 = tpu.memref_squeeze %dma_start3A_542 : memref<1x!tpu.dma_semaphore, #tpu.memory_space<semaphore_mem>> -> memref<!tpu.dma_semaphore, #tpu.memory_space<semaphore_mem>>
      tpu.enqueue_indirect_dma source(%dma_start3A_541 : memref<100000x128xf32, #tpu.memory_space<hbm>>) target(%dma_start3A_535 : memref<100x128xf32, #tpu.memory_space<vmem>>) offsets(%dma_start3A_538 : memref<100xi32, #tpu.memory_space<vmem>>) semaphore(%dma_start3A_543 : memref<!tpu.dma_semaphore, #tpu.memory_space<semaphore_mem>>)
      %mul3A_544 = arith.constant 4 : i32
      %mul3A_545 = arith.muli %mul3A_544, %scan3A_425 : i32
      %add3A_546 = arith.constant 2 : i32
      %add3A_547 = arith.addi %mul3A_545, %add3A_546 : i32
      %dma_wait3A_548 = arith.constant 1 : i32
      %dma_wait3A_549 = arith.constant 2 : i32
      %dma_wait3A_550 = arith.constant 0 : i32
      %dma_wait3A_551 = arith.constant 0 : i32
      %dma_wait3A_552 = tpu.memref_slice %arg8[%dma_wait3A_548, %dma_wait3A_550, %dma_wait3A_551] : memref<2x200x128xf32, #tpu.memory_space<vmem>> -> memref<1x100x128xf32, #tpu.memory_space<vmem>>
      %dma_wait3A_553 = tpu.memref_squeeze %dma_wait3A_552 : memref<1x100x128xf32, #tpu.memory_space<vmem>> -> memref<100x128xf32, #tpu.memory_space<vmem>>
      %dma_wait3A_554 = arith.constant 0 : i32
      %dma_wait3A_555 = tpu.memref_slice %arg7[%add3A_547, %dma_wait3A_554] : memref<256x100xi32, #tpu.memory_space<vmem>> -> memref<1x100xi32, #tpu.memory_space<vmem>>
      %dma_wait3A_556 = tpu.memref_squeeze %dma_wait3A_555 : memref<1x100xi32, #tpu.memory_space<vmem>> -> memref<100xi32, #tpu.memory_space<vmem>>
      %dma_wait3A_557 = arith.constant 0 : i32
      %dma_wait3A_558 = arith.constant 0 : i32
      %dma_wait3A_559 = tpu.memref_slice %arg3[%dma_wait3A_557, %dma_wait3A_558] : memref<100000x128xf32, #tpu.memory_space<hbm>> -> memref<100000x128xf32, #tpu.memory_space<hbm>>
      %dma_wait3A_560 = tpu.memref_slice %arg9[%dma_wait3A_549] : memref<4x!tpu.dma_semaphore, #tpu.memory_space<semaphore_mem>> -> memref<1x!tpu.dma_semaphore, #tpu.memory_space<semaphore_mem>>
      %dma_wait3A_561 = tpu.memref_squeeze %dma_wait3A_560 : memref<1x!tpu.dma_semaphore, #tpu.memory_space<semaphore_mem>> -> memref<!tpu.dma_semaphore, #tpu.memory_space<semaphore_mem>>
      tpu.wait_indirect_dma semaphore(%dma_wait3A_561 : memref<!tpu.dma_semaphore, #tpu.memory_space<semaphore_mem>>) src(%dma_wait3A_559 : memref<100000x128xf32, #tpu.memory_space<hbm>>) dst(%dma_wait3A_553 : memref<100x128xf32, #tpu.memory_space<vmem>>)
      %mul3A_562 = arith.constant 2 : i32
      %mul3A_563 = arith.muli %mul3A_562, %scan3A_425 : i32
      %add3A_564 = arith.addi %mul3A_4, %mul3A_563 : i32
      %dma_wait3A_565 = arith.constant 0 : i32
      %dma_wait3A_566 = arith.constant 0 : i32
      %dma_wait3A_567 = arith.constant 0 : i32
      %dma_wait3A_568 = arith.constant 0 : i32
      %dma_wait3A_569 = tpu.memref_slice %arg8[%dma_wait3A_565, %dma_wait3A_567, %dma_wait3A_568] : memref<2x200x128xf32, #tpu.memory_space<vmem>> -> memref<1x200x128xf32, #tpu.memory_space<vmem>>
      %dma_wait3A_570 = tpu.memref_squeeze %dma_wait3A_569 : memref<1x200x128xf32, #tpu.memory_space<vmem>> -> memref<200x128xf32, #tpu.memory_space<vmem>>
      %dma_wait3A_571 = arith.constant 0 : i32
      %dma_wait3A_572 = arith.constant 0 : i32
      %dma_wait3A_573 = tpu.memref_slice %arg5[%add3A_564, %dma_wait3A_571, %dma_wait3A_572] : memref<4096x200x128xf32, #tpu.memory_space<hbm>> -> memref<1x200x128xf32, #tpu.memory_space<hbm>>
      %dma_wait3A_574 = tpu.memref_squeeze %dma_wait3A_573 : memref<1x200x128xf32, #tpu.memory_space<hbm>> -> memref<200x128xf32, #tpu.memory_space<hbm>>
      %dma_wait3A_575 = tpu.memref_slice %arg10[%dma_wait3A_566] : memref<2x!tpu.dma_semaphore, #tpu.memory_space<semaphore_mem>> -> memref<1x!tpu.dma_semaphore, #tpu.memory_space<semaphore_mem>>
      %dma_wait3A_576 = tpu.memref_squeeze %dma_wait3A_575 : memref<1x!tpu.dma_semaphore, #tpu.memory_space<semaphore_mem>> -> memref<!tpu.dma_semaphore, #tpu.memory_space<semaphore_mem>>
      %dma_wait3A_577 = arith.constant 0 : i32
      %dma_wait3A_578 = arith.constant 0 : i32
      %dma_wait3A_579 = tpu.memref_slice %arg5[%add3A_564, %dma_wait3A_577, %dma_wait3A_578] : memref<4096x200x128xf32, #tpu.memory_space<hbm>> -> memref<1x200x128xf32, #tpu.memory_space<hbm>>
      %dma_wait3A_580 = tpu.memref_squeeze %dma_wait3A_579 : memref<1x200x128xf32, #tpu.memory_space<hbm>> -> memref<200x128xf32, #tpu.memory_space<hbm>>
      %dma_wait3A_581 = arith.constant 0 : i32
      %dma_wait3A_582 = arith.constant 0 : i32
      %dma_wait3A_583 = tpu.memref_slice %arg8[%dma_wait3A_565, %dma_wait3A_581, %dma_wait3A_582] : memref<2x200x128xf32, #tpu.memory_space<vmem>> -> memref<1x200x128xf32, #tpu.memory_space<vmem>>
      %dma_wait3A_584 = tpu.memref_squeeze %dma_wait3A_583 : memref<1x200x128xf32, #tpu.memory_space<vmem>> -> memref<200x128xf32, #tpu.memory_space<vmem>>
      tpu.wait_dma2 semaphore(%dma_wait3A_576 : memref<!tpu.dma_semaphore, #tpu.memory_space<semaphore_mem>>) src(%dma_wait3A_584 : memref<200x128xf32, #tpu.memory_space<vmem>>) dst(%dma_wait3A_580 : memref<200x128xf32, #tpu.memory_space<hbm>>)
      %add3A_585 = arith.constant 2 : i32
      %add3A_586 = arith.addi %add3A_547, %add3A_585 : i32
      %dma_start3A_587 = arith.constant 0 : i32
      %dma_start3A_588 = arith.constant 0 : i32
      %dma_start3A_589 = arith.constant 0 : i32
      %dma_start3A_590 = arith.constant 0 : i32
      %dma_start3A_591 = tpu.memref_slice %arg8[%dma_start3A_587, %dma_start3A_589, %dma_start3A_590] : memref<2x200x128xf32, #tpu.memory_space<vmem>> -> memref<1x100x128xf32, #tpu.memory_space<vmem>>
      %dma_start3A_592 = tpu.memref_squeeze %dma_start3A_591 : memref<1x100x128xf32, #tpu.memory_space<vmem>> -> memref<100x128xf32, #tpu.memory_space<vmem>>
      %dma_start3A_593 = arith.constant 0 : i32
      %dma_start3A_594 = tpu.memref_slice %arg7[%add3A_586, %dma_start3A_593] : memref<256x100xi32, #tpu.memory_space<vmem>> -> memref<1x100xi32, #tpu.memory_space<vmem>>
      %dma_start3A_595 = tpu.memref_squeeze %dma_start3A_594 : memref<1x100xi32, #tpu.memory_space<vmem>> -> memref<100xi32, #tpu.memory_space<vmem>>
      %dma_start3A_596 = arith.constant 0 : i32
      %dma_start3A_597 = arith.constant 0 : i32
      %dma_start3A_598 = tpu.memref_slice %arg3[%dma_start3A_596, %dma_start3A_597] : memref<100000x128xf32, #tpu.memory_space<hbm>> -> memref<100000x128xf32, #tpu.memory_space<hbm>>
      %dma_start3A_599 = tpu.memref_slice %arg9[%dma_start3A_588] : memref<4x!tpu.dma_semaphore, #tpu.memory_space<semaphore_mem>> -> memref<1x!tpu.dma_semaphore, #tpu.memory_space<semaphore_mem>>
      %dma_start3A_600 = tpu.memref_squeeze %dma_start3A_599 : memref<1x!tpu.dma_semaphore, #tpu.memory_space<semaphore_mem>> -> memref<!tpu.dma_semaphore, #tpu.memory_space<semaphore_mem>>
      tpu.enqueue_indirect_dma source(%dma_start3A_598 : memref<100000x128xf32, #tpu.memory_space<hbm>>) target(%dma_start3A_592 : memref<100x128xf32, #tpu.memory_space<vmem>>) offsets(%dma_start3A_595 : memref<100xi32, #tpu.memory_space<vmem>>) semaphore(%dma_start3A_600 : memref<!tpu.dma_semaphore, #tpu.memory_space<semaphore_mem>>)
      %mul3A_601 = arith.constant 4 : i32
      %mul3A_602 = arith.muli %mul3A_601, %scan3A_425 : i32
      %add3A_603 = arith.constant 3 : i32
      %add3A_604 = arith.addi %mul3A_602, %add3A_603 : i32
      %dma_wait3A_605 = arith.constant 1 : i32
      %dma_wait3A_606 = arith.constant 3 : i32
      %dma_wait3A_607 = arith.constant 100 : i32
      %dma_wait3A_608 = arith.constant 0 : i32
      %dma_wait3A_609 = tpu.memref_slice %arg8[%dma_wait3A_605, %dma_wait3A_607, %dma_wait3A_608] : memref<2x200x128xf32, #tpu.memory_space<vmem>> -> memref<1x100x128xf32, #tpu.memory_space<vmem>>
      %dma_wait3A_610 = tpu.memref_squeeze %dma_wait3A_609 : memref<1x100x128xf32, #tpu.memory_space<vmem>> -> memref<100x128xf32, #tpu.memory_space<vmem>>
      %dma_wait3A_611 = arith.constant 0 : i32
      %dma_wait3A_612 = tpu.memref_slice %arg7[%add3A_604, %dma_wait3A_611] : memref<256x100xi32, #tpu.memory_space<vmem>> -> memref<1x100xi32, #tpu.memory_space<vmem>>
      %dma_wait3A_613 = tpu.memref_squeeze %dma_wait3A_612 : memref<1x100xi32, #tpu.memory_space<vmem>> -> memref<100xi32, #tpu.memory_space<vmem>>
      %dma_wait3A_614 = arith.constant 0 : i32
      %dma_wait3A_615 = arith.constant 0 : i32
      %dma_wait3A_616 = tpu.memref_slice %arg3[%dma_wait3A_614, %dma_wait3A_615] : memref<100000x128xf32, #tpu.memory_space<hbm>> -> memref<100000x128xf32, #tpu.memory_space<hbm>>
      %dma_wait3A_617 = tpu.memref_slice %arg9[%dma_wait3A_606] : memref<4x!tpu.dma_semaphore, #tpu.memory_space<semaphore_mem>> -> memref<1x!tpu.dma_semaphore, #tpu.memory_space<semaphore_mem>>
      %dma_wait3A_618 = tpu.memref_squeeze %dma_wait3A_617 : memref<1x!tpu.dma_semaphore, #tpu.memory_space<semaphore_mem>> -> memref<!tpu.dma_semaphore, #tpu.memory_space<semaphore_mem>>
      tpu.wait_indirect_dma semaphore(%dma_wait3A_618 : memref<!tpu.dma_semaphore, #tpu.memory_space<semaphore_mem>>) src(%dma_wait3A_616 : memref<100000x128xf32, #tpu.memory_space<hbm>>) dst(%dma_wait3A_610 : memref<100x128xf32, #tpu.memory_space<vmem>>)
      %mul3A_619 = arith.constant 2 : i32
      %mul3A_620 = arith.muli %mul3A_619, %scan3A_425 : i32
      %add3A_621 = arith.constant 1 : i32
      %add3A_622 = arith.addi %mul3A_620, %add3A_621 : i32
      %add3A_623 = arith.addi %mul3A_4, %add3A_622 : i32
      %dma_start3A_624 = arith.constant 1 : i32
      %dma_start3A_625 = arith.constant 1 : i32
      %dma_start3A_626 = arith.constant 0 : i32
      %dma_start3A_627 = arith.constant 0 : i32
      %dma_start3A_628 = tpu.memref_slice %arg8[%dma_start3A_624, %dma_start3A_626, %dma_start3A_627] : memref<2x200x128xf32, #tpu.memory_space<vmem>> -> memref<1x200x128xf32, #tpu.memory_space<vmem>>
      %dma_start3A_629 = tpu.memref_squeeze %dma_start3A_628 : memref<1x200x128xf32, #tpu.memory_space<vmem>> -> memref<200x128xf32, #tpu.memory_space<vmem>>
      %dma_start3A_630 = arith.constant 0 : i32
      %dma_start3A_631 = arith.constant 0 : i32
      %dma_start3A_632 = tpu.memref_slice %arg5[%add3A_623, %dma_start3A_630, %dma_start3A_631] : memref<4096x200x128xf32, #tpu.memory_space<hbm>> -> memref<1x200x128xf32, #tpu.memory_space<hbm>>
      %dma_start3A_633 = tpu.memref_squeeze %dma_start3A_632 : memref<1x200x128xf32, #tpu.memory_space<hbm>> -> memref<200x128xf32, #tpu.memory_space<hbm>>
      %dma_start3A_634 = tpu.memref_slice %arg10[%dma_start3A_625] : memref<2x!tpu.dma_semaphore, #tpu.memory_space<semaphore_mem>> -> memref<1x!tpu.dma_semaphore, #tpu.memory_space<semaphore_mem>>
      %dma_start3A_635 = tpu.memref_squeeze %dma_start3A_634 : memref<1x!tpu.dma_semaphore, #tpu.memory_space<semaphore_mem>> -> memref<!tpu.dma_semaphore, #tpu.memory_space<semaphore_mem>>
      %dma_start3A_636 = arith.constant 0 : i32
      %dma_start3A_637 = arith.constant 0 : i32
      %dma_start3A_638 = tpu.memref_slice %arg5[%add3A_623, %dma_start3A_636, %dma_start3A_637] : memref<4096x200x128xf32, #tpu.memory_space<hbm>> -> memref<1x200x128xf32, #tpu.memory_space<hbm>>
      %dma_start3A_639 = tpu.memref_squeeze %dma_start3A_638 : memref<1x200x128xf32, #tpu.memory_space<hbm>> -> memref<200x128xf32, #tpu.memory_space<hbm>>
      %dma_start3A_640 = arith.constant 0 : i32
      %dma_start3A_641 = arith.constant 0 : i32
      %dma_start3A_642 = tpu.memref_slice %arg8[%dma_start3A_624, %dma_start3A_640, %dma_start3A_641] : memref<2x200x128xf32, #tpu.memory_space<vmem>> -> memref<1x200x128xf32, #tpu.memory_space<vmem>>
      %dma_start3A_643 = tpu.memref_squeeze %dma_start3A_642 : memref<1x200x128xf32, #tpu.memory_space<vmem>> -> memref<200x128xf32, #tpu.memory_space<vmem>>
      tpu.enqueue_dma source(%dma_start3A_643 : memref<200x128xf32, #tpu.memory_space<vmem>>) target(%dma_start3A_639 : memref<200x128xf32, #tpu.memory_space<hbm>>) target_semaphore(%dma_start3A_635 : memref<!tpu.dma_semaphore, #tpu.memory_space<semaphore_mem>>)
      %add3A_644 = arith.constant 2 : i32
      %add3A_645 = arith.addi %add3A_604, %add3A_644 : i32
      %dma_start3A_646 = arith.constant 0 : i32
      %dma_start3A_647 = arith.constant 1 : i32
      %dma_start3A_648 = arith.constant 100 : i32
      %dma_start3A_649 = arith.constant 0 : i32
      %dma_start3A_650 = tpu.memref_slice %arg8[%dma_start3A_646, %dma_start3A_648, %dma_start3A_649] : memref<2x200x128xf32, #tpu.memory_space<vmem>> -> memref<1x100x128xf32, #tpu.memory_space<vmem>>
      %dma_start3A_651 = tpu.memref_squeeze %dma_start3A_650 : memref<1x100x128xf32, #tpu.memory_space<vmem>> -> memref<100x128xf32, #tpu.memory_space<vmem>>
      %dma_start3A_652 = arith.constant 0 : i32
      %dma_start3A_653 = tpu.memref_slice %arg7[%add3A_645, %dma_start3A_652] : memref<256x100xi32, #tpu.memory_space<vmem>> -> memref<1x100xi32, #tpu.memory_space<vmem>>
      %dma_start3A_654 = tpu.memref_squeeze %dma_start3A_653 : memref<1x100xi32, #tpu.memory_space<vmem>> -> memref<100xi32, #tpu.memory_space<vmem>>
      %dma_start3A_655 = arith.constant 0 : i32
      %dma_start3A_656 = arith.constant 0 : i32
      %dma_start3A_657 = tpu.memref_slice %arg3[%dma_start3A_655, %dma_start3A_656] : memref<100000x128xf32, #tpu.memory_space<hbm>> -> memref<100000x128xf32, #tpu.memory_space<hbm>>
      %dma_start3A_658 = tpu.memref_slice %arg9[%dma_start3A_647] : memref<4x!tpu.dma_semaphore, #tpu.memory_space<semaphore_mem>> -> memref<1x!tpu.dma_semaphore, #tpu.memory_space<semaphore_mem>>
      %dma_start3A_659 = tpu.memref_squeeze %dma_start3A_658 : memref<1x!tpu.dma_semaphore, #tpu.memory_space<semaphore_mem>> -> memref<!tpu.dma_semaphore, #tpu.memory_space<semaphore_mem>>
      tpu.enqueue_indirect_dma source(%dma_start3A_657 : memref<100000x128xf32, #tpu.memory_space<hbm>>) target(%dma_start3A_651 : memref<100x128xf32, #tpu.memory_space<vmem>>) offsets(%dma_start3A_654 : memref<100xi32, #tpu.memory_space<vmem>>) semaphore(%dma_start3A_659 : memref<!tpu.dma_semaphore, #tpu.memory_space<semaphore_mem>>)
      %scan3A_660 = arith.constant 0 : i32
      scf.yield %scan3A_660 : i32
    }
    %scan3A_224 = arith.constant 62 : i32
    %dma_wait3A_225 = arith.constant 252 : i32
    %dma_wait3A_226 = arith.constant 0 : i32
    %dma_wait3A_227 = arith.constant 0 : i32
    %dma_wait3A_228 = arith.constant 0 : i32
    %dma_wait3A_229 = arith.constant 0 : i32
    %dma_wait3A_230 = tpu.memref_slice %arg8[%dma_wait3A_226, %dma_wait3A_228, %dma_wait3A_229] : memref<2x200x128xf32, #tpu.memory_space<vmem>> -> memref<1x100x128xf32, #tpu.memory_space<vmem>>
    %dma_wait3A_231 = tpu.memref_squeeze %dma_wait3A_230 : memref<1x100x128xf32, #tpu.memory_space<vmem>> -> memref<100x128xf32, #tpu.memory_space<vmem>>
    %dma_wait3A_232 = arith.constant 0 : i32
    %dma_wait3A_233 = tpu.memref_slice %arg7[%dma_wait3A_225, %dma_wait3A_232] : memref<256x100xi32, #tpu.memory_space<vmem>> -> memref<1x100xi32, #tpu.memory_space<vmem>>
    %dma_wait3A_234 = tpu.memref_squeeze %dma_wait3A_233 : memref<1x100xi32, #tpu.memory_space<vmem>> -> memref<100xi32, #tpu.memory_space<vmem>>
    %dma_wait3A_235 = arith.constant 0 : i32
    %dma_wait3A_236 = arith.constant 0 : i32
    %dma_wait3A_237 = tpu.memref_slice %arg3[%dma_wait3A_235, %dma_wait3A_236] : memref<100000x128xf32, #tpu.memory_space<hbm>> -> memref<100000x128xf32, #tpu.memory_space<hbm>>
    %dma_wait3A_238 = tpu.memref_slice %arg9[%dma_wait3A_227] : memref<4x!tpu.dma_semaphore, #tpu.memory_space<semaphore_mem>> -> memref<1x!tpu.dma_semaphore, #tpu.memory_space<semaphore_mem>>
    %dma_wait3A_239 = tpu.memref_squeeze %dma_wait3A_238 : memref<1x!tpu.dma_semaphore, #tpu.memory_space<semaphore_mem>> -> memref<!tpu.dma_semaphore, #tpu.memory_space<semaphore_mem>>
    tpu.wait_indirect_dma semaphore(%dma_wait3A_239 : memref<!tpu.dma_semaphore, #tpu.memory_space<semaphore_mem>>) src(%dma_wait3A_237 : memref<100000x128xf32, #tpu.memory_space<hbm>>) dst(%dma_wait3A_231 : memref<100x128xf32, #tpu.memory_space<vmem>>)
    %add3A_240 = arith.constant 125 : i32
    %add3A_241 = arith.addi %mul3A_4, %add3A_240 : i32
    %dma_wait3A_242 = arith.constant 1 : i32
    %dma_wait3A_243 = arith.constant 1 : i32
    %dma_wait3A_244 = arith.constant 0 : i32
    %dma_wait3A_245 = arith.constant 0 : i32
    %dma_wait3A_246 = tpu.memref_slice %arg8[%dma_wait3A_242, %dma_wait3A_244, %dma_wait3A_245] : memref<2x200x128xf32, #tpu.memory_space<vmem>> -> memref<1x200x128xf32, #tpu.memory_space<vmem>>
    %dma_wait3A_247 = tpu.memref_squeeze %dma_wait3A_246 : memref<1x200x128xf32, #tpu.memory_space<vmem>> -> memref<200x128xf32, #tpu.memory_space<vmem>>
    %dma_wait3A_248 = arith.constant 0 : i32
    %dma_wait3A_249 = arith.constant 0 : i32
    %dma_wait3A_250 = tpu.memref_slice %arg5[%add3A_241, %dma_wait3A_248, %dma_wait3A_249] : memref<4096x200x128xf32, #tpu.memory_space<hbm>> -> memref<1x200x128xf32, #tpu.memory_space<hbm>>
    %dma_wait3A_251 = tpu.memref_squeeze %dma_wait3A_250 : memref<1x200x128xf32, #tpu.memory_space<hbm>> -> memref<200x128xf32, #tpu.memory_space<hbm>>
    %dma_wait3A_252 = tpu.memref_slice %arg10[%dma_wait3A_243] : memref<2x!tpu.dma_semaphore, #tpu.memory_space<semaphore_mem>> -> memref<1x!tpu.dma_semaphore, #tpu.memory_space<semaphore_mem>>
    %dma_wait3A_253 = tpu.memref_squeeze %dma_wait3A_252 : memref<1x!tpu.dma_semaphore, #tpu.memory_space<semaphore_mem>> -> memref<!tpu.dma_semaphore, #tpu.memory_space<semaphore_mem>>
    %dma_wait3A_254 = arith.constant 0 : i32
    %dma_wait3A_255 = arith.constant 0 : i32
    %dma_wait3A_256 = tpu.memref_slice %arg5[%add3A_241, %dma_wait3A_254, %dma_wait3A_255] : memref<4096x200x128xf32, #tpu.memory_space<hbm>> -> memref<1x200x128xf32, #tpu.memory_space<hbm>>
    %dma_wait3A_257 = tpu.memref_squeeze %dma_wait3A_256 : memref<1x200x128xf32, #tpu.memory_space<hbm>> -> memref<200x128xf32, #tpu.memory_space<hbm>>
    %dma_wait3A_258 = arith.constant 0 : i32
    %dma_wait3A_259 = arith.constant 0 : i32
    %dma_wait3A_260 = tpu.memref_slice %arg8[%dma_wait3A_242, %dma_wait3A_258, %dma_wait3A_259] : memref<2x200x128xf32, #tpu.memory_space<vmem>> -> memref<1x200x128xf32, #tpu.memory_space<vmem>>
    %dma_wait3A_261 = tpu.memref_squeeze %dma_wait3A_260 : memref<1x200x128xf32, #tpu.memory_space<vmem>> -> memref<200x128xf32, #tpu.memory_space<vmem>>
    tpu.wait_dma2 semaphore(%dma_wait3A_253 : memref<!tpu.dma_semaphore, #tpu.memory_space<semaphore_mem>>) src(%dma_wait3A_261 : memref<200x128xf32, #tpu.memory_space<vmem>>) dst(%dma_wait3A_257 : memref<200x128xf32, #tpu.memory_space<hbm>>)
    %dma_start3A_262 = arith.constant 254 : i32
    %dma_start3A_263 = arith.constant 1 : i32
    %dma_start3A_264 = arith.constant 2 : i32
    %dma_start3A_265 = arith.constant 0 : i32
    %dma_start3A_266 = arith.constant 0 : i32
    %dma_start3A_267 = tpu.memref_slice %arg8[%dma_start3A_263, %dma_start3A_265, %dma_start3A_266] : memref<2x200x128xf32, #tpu.memory_space<vmem>> -> memref<1x100x128xf32, #tpu.memory_space<vmem>>
    %dma_start3A_268 = tpu.memref_squeeze %dma_start3A_267 : memref<1x100x128xf32, #tpu.memory_space<vmem>> -> memref<100x128xf32, #tpu.memory_space<vmem>>
    %dma_start3A_269 = arith.constant 0 : i32
    %dma_start3A_270 = tpu.memref_slice %arg7[%dma_start3A_262, %dma_start3A_269] : memref<256x100xi32, #tpu.memory_space<vmem>> -> memref<1x100xi32, #tpu.memory_space<vmem>>
    %dma_start3A_271 = tpu.memref_squeeze %dma_start3A_270 : memref<1x100xi32, #tpu.memory_space<vmem>> -> memref<100xi32, #tpu.memory_space<vmem>>
    %dma_start3A_272 = arith.constant 0 : i32
    %dma_start3A_273 = arith.constant 0 : i32
    %dma_start3A_274 = tpu.memref_slice %arg3[%dma_start3A_272, %dma_start3A_273] : memref<100000x128xf32, #tpu.memory_space<hbm>> -> memref<100000x128xf32, #tpu.memory_space<hbm>>
    %dma_start3A_275 = tpu.memref_slice %arg9[%dma_start3A_264] : memref<4x!tpu.dma_semaphore, #tpu.memory_space<semaphore_mem>> -> memref<1x!tpu.dma_semaphore, #tpu.memory_space<semaphore_mem>>
    %dma_start3A_276 = tpu.memref_squeeze %dma_start3A_275 : memref<1x!tpu.dma_semaphore, #tpu.memory_space<semaphore_mem>> -> memref<!tpu.dma_semaphore, #tpu.memory_space<semaphore_mem>>
    tpu.enqueue_indirect_dma source(%dma_start3A_274 : memref<100000x128xf32, #tpu.memory_space<hbm>>) target(%dma_start3A_268 : memref<100x128xf32, #tpu.memory_space<vmem>>) offsets(%dma_start3A_271 : memref<100xi32, #tpu.memory_space<vmem>>) semaphore(%dma_start3A_276 : memref<!tpu.dma_semaphore, #tpu.memory_space<semaphore_mem>>)
    %dma_wait3A_277 = arith.constant 253 : i32
    %dma_wait3A_278 = arith.constant 0 : i32
    %dma_wait3A_279 = arith.constant 1 : i32
    %dma_wait3A_280 = arith.constant 100 : i32
    %dma_wait3A_281 = arith.constant 0 : i32
    %dma_wait3A_282 = tpu.memref_slice %arg8[%dma_wait3A_278, %dma_wait3A_280, %dma_wait3A_281] : memref<2x200x128xf32, #tpu.memory_space<vmem>> -> memref<1x100x128xf32, #tpu.memory_space<vmem>>
    %dma_wait3A_283 = tpu.memref_squeeze %dma_wait3A_282 : memref<1x100x128xf32, #tpu.memory_space<vmem>> -> memref<100x128xf32, #tpu.memory_space<vmem>>
    %dma_wait3A_284 = arith.constant 0 : i32
    %dma_wait3A_285 = tpu.memref_slice %arg7[%dma_wait3A_277, %dma_wait3A_284] : memref<256x100xi32, #tpu.memory_space<vmem>> -> memref<1x100xi32, #tpu.memory_space<vmem>>
    %dma_wait3A_286 = tpu.memref_squeeze %dma_wait3A_285 : memref<1x100xi32, #tpu.memory_space<vmem>> -> memref<100xi32, #tpu.memory_space<vmem>>
    %dma_wait3A_287 = arith.constant 0 : i32
    %dma_wait3A_288 = arith.constant 0 : i32
    %dma_wait3A_289 = tpu.memref_slice %arg3[%dma_wait3A_287, %dma_wait3A_288] : memref<100000x128xf32, #tpu.memory_space<hbm>> -> memref<100000x128xf32, #tpu.memory_space<hbm>>
    %dma_wait3A_290 = tpu.memref_slice %arg9[%dma_wait3A_279] : memref<4x!tpu.dma_semaphore, #tpu.memory_space<semaphore_mem>> -> memref<1x!tpu.dma_semaphore, #tpu.memory_space<semaphore_mem>>
    %dma_wait3A_291 = tpu.memref_squeeze %dma_wait3A_290 : memref<1x!tpu.dma_semaphore, #tpu.memory_space<semaphore_mem>> -> memref<!tpu.dma_semaphore, #tpu.memory_space<semaphore_mem>>
    tpu.wait_indirect_dma semaphore(%dma_wait3A_291 : memref<!tpu.dma_semaphore, #tpu.memory_space<semaphore_mem>>) src(%dma_wait3A_289 : memref<100000x128xf32, #tpu.memory_space<hbm>>) dst(%dma_wait3A_283 : memref<100x128xf32, #tpu.memory_space<vmem>>)
    %add3A_292 = arith.constant 126 : i32
    %add3A_293 = arith.addi %mul3A_4, %add3A_292 : i32
    %dma_start3A_294 = arith.constant 0 : i32
    %dma_start3A_295 = arith.constant 0 : i32
    %dma_start3A_296 = arith.constant 0 : i32
    %dma_start3A_297 = arith.constant 0 : i32
    %dma_start3A_298 = tpu.memref_slice %arg8[%dma_start3A_294, %dma_start3A_296, %dma_start3A_297] : memref<2x200x128xf32, #tpu.memory_space<vmem>> -> memref<1x200x128xf32, #tpu.memory_space<vmem>>
    %dma_start3A_299 = tpu.memref_squeeze %dma_start3A_298 : memref<1x200x128xf32, #tpu.memory_space<vmem>> -> memref<200x128xf32, #tpu.memory_space<vmem>>
    %dma_start3A_300 = arith.constant 0 : i32
    %dma_start3A_301 = arith.constant 0 : i32
    %dma_start3A_302 = tpu.memref_slice %arg5[%add3A_293, %dma_start3A_300, %dma_start3A_301] : memref<4096x200x128xf32, #tpu.memory_space<hbm>> -> memref<1x200x128xf32, #tpu.memory_space<hbm>>
    %dma_start3A_303 = tpu.memref_squeeze %dma_start3A_302 : memref<1x200x128xf32, #tpu.memory_space<hbm>> -> memref<200x128xf32, #tpu.memory_space<hbm>>
    %dma_start3A_304 = tpu.memref_slice %arg10[%dma_start3A_295] : memref<2x!tpu.dma_semaphore, #tpu.memory_space<semaphore_mem>> -> memref<1x!tpu.dma_semaphore, #tpu.memory_space<semaphore_mem>>
    %dma_start3A_305 = tpu.memref_squeeze %dma_start3A_304 : memref<1x!tpu.dma_semaphore, #tpu.memory_space<semaphore_mem>> -> memref<!tpu.dma_semaphore, #tpu.memory_space<semaphore_mem>>
    %dma_start3A_306 = arith.constant 0 : i32
    %dma_start3A_307 = arith.constant 0 : i32
    %dma_start3A_308 = tpu.memref_slice %arg5[%add3A_293, %dma_start3A_306, %dma_start3A_307] : memref<4096x200x128xf32, #tpu.memory_space<hbm>> -> memref<1x200x128xf32, #tpu.memory_space<hbm>>
    %dma_start3A_309 = tpu.memref_squeeze %dma_start3A_308 : memref<1x200x128xf32, #tpu.memory_space<hbm>> -> memref<200x128xf32, #tpu.memory_space<hbm>>
    %dma_start3A_310 = arith.constant 0 : i32
    %dma_start3A_311 = arith.constant 0 : i32
    %dma_start3A_312 = tpu.memref_slice %arg8[%dma_start3A_294, %dma_start3A_310, %dma_start3A_311] : memref<2x200x128xf32, #tpu.memory_space<vmem>> -> memref<1x200x128xf32, #tpu.memory_space<vmem>>
    %dma_start3A_313 = tpu.memref_squeeze %dma_start3A_312 : memref<1x200x128xf32, #tpu.memory_space<vmem>> -> memref<200x128xf32, #tpu.memory_space<vmem>>
    tpu.enqueue_dma source(%dma_start3A_313 : memref<200x128xf32, #tpu.memory_space<vmem>>) target(%dma_start3A_309 : memref<200x128xf32, #tpu.memory_space<hbm>>) target_semaphore(%dma_start3A_305 : memref<!tpu.dma_semaphore, #tpu.memory_space<semaphore_mem>>)
    %dma_start3A_314 = arith.constant 255 : i32
    %dma_start3A_315 = arith.constant 1 : i32
    %dma_start3A_316 = arith.constant 3 : i32
    %dma_start3A_317 = arith.constant 100 : i32
    %dma_start3A_318 = arith.constant 0 : i32
    %dma_start3A_319 = tpu.memref_slice %arg8[%dma_start3A_315, %dma_start3A_317, %dma_start3A_318] : memref<2x200x128xf32, #tpu.memory_space<vmem>> -> memref<1x100x128xf32, #tpu.memory_space<vmem>>
    %dma_start3A_320 = tpu.memref_squeeze %dma_start3A_319 : memref<1x100x128xf32, #tpu.memory_space<vmem>> -> memref<100x128xf32, #tpu.memory_space<vmem>>
    %dma_start3A_321 = arith.constant 0 : i32
    %dma_start3A_322 = tpu.memref_slice %arg7[%dma_start3A_314, %dma_start3A_321] : memref<256x100xi32, #tpu.memory_space<vmem>> -> memref<1x100xi32, #tpu.memory_space<vmem>>
    %dma_start3A_323 = tpu.memref_squeeze %dma_start3A_322 : memref<1x100xi32, #tpu.memory_space<vmem>> -> memref<100xi32, #tpu.memory_space<vmem>>
    %dma_start3A_324 = arith.constant 0 : i32
    %dma_start3A_325 = arith.constant 0 : i32
    %dma_start3A_326 = tpu.memref_slice %arg3[%dma_start3A_324, %dma_start3A_325] : memref<100000x128xf32, #tpu.memory_space<hbm>> -> memref<100000x128xf32, #tpu.memory_space<hbm>>
    %dma_start3A_327 = tpu.memref_slice %arg9[%dma_start3A_316] : memref<4x!tpu.dma_semaphore, #tpu.memory_space<semaphore_mem>> -> memref<1x!tpu.dma_semaphore, #tpu.memory_space<semaphore_mem>>
    %dma_start3A_328 = tpu.memref_squeeze %dma_start3A_327 : memref<1x!tpu.dma_semaphore, #tpu.memory_space<semaphore_mem>> -> memref<!tpu.dma_semaphore, #tpu.memory_space<semaphore_mem>>
    tpu.enqueue_indirect_dma source(%dma_start3A_326 : memref<100000x128xf32, #tpu.memory_space<hbm>>) target(%dma_start3A_320 : memref<100x128xf32, #tpu.memory_space<vmem>>) offsets(%dma_start3A_323 : memref<100xi32, #tpu.memory_space<vmem>>) semaphore(%dma_start3A_328 : memref<!tpu.dma_semaphore, #tpu.memory_space<semaphore_mem>>)
    %dma_wait3A_329 = arith.constant 254 : i32
    %dma_wait3A_330 = arith.constant 1 : i32
    %dma_wait3A_331 = arith.constant 2 : i32
    %dma_wait3A_332 = arith.constant 0 : i32
    %dma_wait3A_333 = arith.constant 0 : i32
    %dma_wait3A_334 = tpu.memref_slice %arg8[%dma_wait3A_330, %dma_wait3A_332, %dma_wait3A_333] : memref<2x200x128xf32, #tpu.memory_space<vmem>> -> memref<1x100x128xf32, #tpu.memory_space<vmem>>
    %dma_wait3A_335 = tpu.memref_squeeze %dma_wait3A_334 : memref<1x100x128xf32, #tpu.memory_space<vmem>> -> memref<100x128xf32, #tpu.memory_space<vmem>>
    %dma_wait3A_336 = arith.constant 0 : i32
    %dma_wait3A_337 = tpu.memref_slice %arg7[%dma_wait3A_329, %dma_wait3A_336] : memref<256x100xi32, #tpu.memory_space<vmem>> -> memref<1x100xi32, #tpu.memory_space<vmem>>
    %dma_wait3A_338 = tpu.memref_squeeze %dma_wait3A_337 : memref<1x100xi32, #tpu.memory_space<vmem>> -> memref<100xi32, #tpu.memory_space<vmem>>
    %dma_wait3A_339 = arith.constant 0 : i32
    %dma_wait3A_340 = arith.constant 0 : i32
    %dma_wait3A_341 = tpu.memref_slice %arg3[%dma_wait3A_339, %dma_wait3A_340] : memref<100000x128xf32, #tpu.memory_space<hbm>> -> memref<100000x128xf32, #tpu.memory_space<hbm>>
    %dma_wait3A_342 = tpu.memref_slice %arg9[%dma_wait3A_331] : memref<4x!tpu.dma_semaphore, #tpu.memory_space<semaphore_mem>> -> memref<1x!tpu.dma_semaphore, #tpu.memory_space<semaphore_mem>>
    %dma_wait3A_343 = tpu.memref_squeeze %dma_wait3A_342 : memref<1x!tpu.dma_semaphore, #tpu.memory_space<semaphore_mem>> -> memref<!tpu.dma_semaphore, #tpu.memory_space<semaphore_mem>>
    tpu.wait_indirect_dma semaphore(%dma_wait3A_343 : memref<!tpu.dma_semaphore, #tpu.memory_space<semaphore_mem>>) src(%dma_wait3A_341 : memref<100000x128xf32, #tpu.memory_space<hbm>>) dst(%dma_wait3A_335 : memref<100x128xf32, #tpu.memory_space<vmem>>)
    %dma_wait3A_344 = arith.constant 255 : i32
    %dma_wait3A_345 = arith.constant 1 : i32
    %dma_wait3A_346 = arith.constant 3 : i32
    %dma_wait3A_347 = arith.constant 100 : i32
    %dma_wait3A_348 = arith.constant 0 : i32
    %dma_wait3A_349 = tpu.memref_slice %arg8[%dma_wait3A_345, %dma_wait3A_347, %dma_wait3A_348] : memref<2x200x128xf32, #tpu.memory_space<vmem>> -> memref<1x100x128xf32, #tpu.memory_space<vmem>>
    %dma_wait3A_350 = tpu.memref_squeeze %dma_wait3A_349 : memref<1x100x128xf32, #tpu.memory_space<vmem>> -> memref<100x128xf32, #tpu.memory_space<vmem>>
    %dma_wait3A_351 = arith.constant 0 : i32
    %dma_wait3A_352 = tpu.memref_slice %arg7[%dma_wait3A_344, %dma_wait3A_351] : memref<256x100xi32, #tpu.memory_space<vmem>> -> memref<1x100xi32, #tpu.memory_space<vmem>>
    %dma_wait3A_353 = tpu.memref_squeeze %dma_wait3A_352 : memref<1x100xi32, #tpu.memory_space<vmem>> -> memref<100xi32, #tpu.memory_space<vmem>>
    %dma_wait3A_354 = arith.constant 0 : i32
    %dma_wait3A_355 = arith.constant 0 : i32
    %dma_wait3A_356 = tpu.memref_slice %arg3[%dma_wait3A_354, %dma_wait3A_355] : memref<100000x128xf32, #tpu.memory_space<hbm>> -> memref<100000x128xf32, #tpu.memory_space<hbm>>
    %dma_wait3A_357 = tpu.memref_slice %arg9[%dma_wait3A_346] : memref<4x!tpu.dma_semaphore, #tpu.memory_space<semaphore_mem>> -> memref<1x!tpu.dma_semaphore, #tpu.memory_space<semaphore_mem>>
    %dma_wait3A_358 = tpu.memref_squeeze %dma_wait3A_357 : memref<1x!tpu.dma_semaphore, #tpu.memory_space<semaphore_mem>> -> memref<!tpu.dma_semaphore, #tpu.memory_space<semaphore_mem>>
    tpu.wait_indirect_dma semaphore(%dma_wait3A_358 : memref<!tpu.dma_semaphore, #tpu.memory_space<semaphore_mem>>) src(%dma_wait3A_356 : memref<100000x128xf32, #tpu.memory_space<hbm>>) dst(%dma_wait3A_350 : memref<100x128xf32, #tpu.memory_space<vmem>>)
    %add3A_359 = arith.constant 127 : i32
    %add3A_360 = arith.addi %mul3A_4, %add3A_359 : i32
    %dma_start3A_361 = arith.constant 1 : i32
    %dma_start3A_362 = arith.constant 1 : i32
    %dma_start3A_363 = arith.constant 0 : i32
    %dma_start3A_364 = arith.constant 0 : i32
    %dma_start3A_365 = tpu.memref_slice %arg8[%dma_start3A_361, %dma_start3A_363, %dma_start3A_364] : memref<2x200x128xf32, #tpu.memory_space<vmem>> -> memref<1x200x128xf32, #tpu.memory_space<vmem>>
    %dma_start3A_366 = tpu.memref_squeeze %dma_start3A_365 : memref<1x200x128xf32, #tpu.memory_space<vmem>> -> memref<200x128xf32, #tpu.memory_space<vmem>>
    %dma_start3A_367 = arith.constant 0 : i32
    %dma_start3A_368 = arith.constant 0 : i32
    %dma_start3A_369 = tpu.memref_slice %arg5[%add3A_360, %dma_start3A_367, %dma_start3A_368] : memref<4096x200x128xf32, #tpu.memory_space<hbm>> -> memref<1x200x128xf32, #tpu.memory_space<hbm>>
    %dma_start3A_370 = tpu.memref_squeeze %dma_start3A_369 : memref<1x200x128xf32, #tpu.memory_space<hbm>> -> memref<200x128xf32, #tpu.memory_space<hbm>>
    %dma_start3A_371 = tpu.memref_slice %arg10[%dma_start3A_362] : memref<2x!tpu.dma_semaphore, #tpu.memory_space<semaphore_mem>> -> memref<1x!tpu.dma_semaphore, #tpu.memory_space<semaphore_mem>>
    %dma_start3A_372 = tpu.memref_squeeze %dma_start3A_371 : memref<1x!tpu.dma_semaphore, #tpu.memory_space<semaphore_mem>> -> memref<!tpu.dma_semaphore, #tpu.memory_space<semaphore_mem>>
    %dma_start3A_373 = arith.constant 0 : i32
    %dma_start3A_374 = arith.constant 0 : i32
    %dma_start3A_375 = tpu.memref_slice %arg5[%add3A_360, %dma_start3A_373, %dma_start3A_374] : memref<4096x200x128xf32, #tpu.memory_space<hbm>> -> memref<1x200x128xf32, #tpu.memory_space<hbm>>
    %dma_start3A_376 = tpu.memref_squeeze %dma_start3A_375 : memref<1x200x128xf32, #tpu.memory_space<hbm>> -> memref<200x128xf32, #tpu.memory_space<hbm>>
    %dma_start3A_377 = arith.constant 0 : i32
    %dma_start3A_378 = arith.constant 0 : i32
    %dma_start3A_379 = tpu.memref_slice %arg8[%dma_start3A_361, %dma_start3A_377, %dma_start3A_378] : memref<2x200x128xf32, #tpu.memory_space<vmem>> -> memref<1x200x128xf32, #tpu.memory_space<vmem>>
    %dma_start3A_380 = tpu.memref_squeeze %dma_start3A_379 : memref<1x200x128xf32, #tpu.memory_space<vmem>> -> memref<200x128xf32, #tpu.memory_space<vmem>>
    tpu.enqueue_dma source(%dma_start3A_380 : memref<200x128xf32, #tpu.memory_space<vmem>>) target(%dma_start3A_376 : memref<200x128xf32, #tpu.memory_space<hbm>>) target_semaphore(%dma_start3A_372 : memref<!tpu.dma_semaphore, #tpu.memory_space<semaphore_mem>>)
    %add3A_381 = arith.constant 126 : i32
    %add3A_382 = arith.addi %mul3A_4, %add3A_381 : i32
    %dma_wait3A_383 = arith.constant 0 : i32
    %dma_wait3A_384 = arith.constant 0 : i32
    %dma_wait3A_385 = arith.constant 0 : i32
    %dma_wait3A_386 = arith.constant 0 : i32
    %dma_wait3A_387 = tpu.memref_slice %arg8[%dma_wait3A_383, %dma_wait3A_385, %dma_wait3A_386] : memref<2x200x128xf32, #tpu.memory_space<vmem>> -> memref<1x200x128xf32, #tpu.memory_space<vmem>>
    %dma_wait3A_388 = tpu.memref_squeeze %dma_wait3A_387 : memref<1x200x128xf32, #tpu.memory_space<vmem>> -> memref<200x128xf32, #tpu.memory_space<vmem>>
    %dma_wait3A_389 = arith.constant 0 : i32
    %dma_wait3A_390 = arith.constant 0 : i32
    %dma_wait3A_391 = tpu.memref_slice %arg5[%add3A_382, %dma_wait3A_389, %dma_wait3A_390] : memref<4096x200x128xf32, #tpu.memory_space<hbm>> -> memref<1x200x128xf32, #tpu.memory_space<hbm>>
    %dma_wait3A_392 = tpu.memref_squeeze %dma_wait3A_391 : memref<1x200x128xf32, #tpu.memory_space<hbm>> -> memref<200x128xf32, #tpu.memory_space<hbm>>
    %dma_wait3A_393 = tpu.memref_slice %arg10[%dma_wait3A_384] : memref<2x!tpu.dma_semaphore, #tpu.memory_space<semaphore_mem>> -> memref<1x!tpu.dma_semaphore, #tpu.memory_space<semaphore_mem>>
    %dma_wait3A_394 = tpu.memref_squeeze %dma_wait3A_393 : memref<1x!tpu.dma_semaphore, #tpu.memory_space<semaphore_mem>> -> memref<!tpu.dma_semaphore, #tpu.memory_space<semaphore_mem>>
    %dma_wait3A_395 = arith.constant 0 : i32
    %dma_wait3A_396 = arith.constant 0 : i32
    %dma_wait3A_397 = tpu.memref_slice %arg5[%add3A_382, %dma_wait3A_395, %dma_wait3A_396] : memref<4096x200x128xf32, #tpu.memory_space<hbm>> -> memref<1x200x128xf32, #tpu.memory_space<hbm>>
    %dma_wait3A_398 = tpu.memref_squeeze %dma_wait3A_397 : memref<1x200x128xf32, #tpu.memory_space<hbm>> -> memref<200x128xf32, #tpu.memory_space<hbm>>
    %dma_wait3A_399 = arith.constant 0 : i32
    %dma_wait3A_400 = arith.constant 0 : i32
    %dma_wait3A_401 = tpu.memref_slice %arg8[%dma_wait3A_383, %dma_wait3A_399, %dma_wait3A_400] : memref<2x200x128xf32, #tpu.memory_space<vmem>> -> memref<1x200x128xf32, #tpu.memory_space<vmem>>
    %dma_wait3A_402 = tpu.memref_squeeze %dma_wait3A_401 : memref<1x200x128xf32, #tpu.memory_space<vmem>> -> memref<200x128xf32, #tpu.memory_space<vmem>>
    tpu.wait_dma2 semaphore(%dma_wait3A_394 : memref<!tpu.dma_semaphore, #tpu.memory_space<semaphore_mem>>) src(%dma_wait3A_402 : memref<200x128xf32, #tpu.memory_space<vmem>>) dst(%dma_wait3A_398 : memref<200x128xf32, #tpu.memory_space<hbm>>)
    %add3A_403 = arith.constant 127 : i32
    %add3A_404 = arith.addi %mul3A_4, %add3A_403 : i32
    %dma_wait3A_405 = arith.constant 1 : i32
    %dma_wait3A_406 = arith.constant 1 : i32
    %dma_wait3A_407 = arith.constant 0 : i32
    %dma_wait3A_408 = arith.constant 0 : i32
    %dma_wait3A_409 = tpu.memref_slice %arg8[%dma_wait3A_405, %dma_wait3A_407, %dma_wait3A_408] : memref<2x200x128xf32, #tpu.memory_space<vmem>> -> memref<1x200x128xf32, #tpu.memory_space<vmem>>
    %dma_wait3A_410 = tpu.memref_squeeze %dma_wait3A_409 : memref<1x200x128xf32, #tpu.memory_space<vmem>> -> memref<200x128xf32, #tpu.memory_space<vmem>>
    %dma_wait3A_411 = arith.constant 0 : i32
    %dma_wait3A_412 = arith.constant 0 : i32
    %dma_wait3A_413 = tpu.memref_slice %arg5[%add3A_404, %dma_wait3A_411, %dma_wait3A_412] : memref<4096x200x128xf32, #tpu.memory_space<hbm>> -> memref<1x200x128xf32, #tpu.memory_space<hbm>>
    %dma_wait3A_414 = tpu.memref_squeeze %dma_wait3A_413 : memref<1x200x128xf32, #tpu.memory_space<hbm>> -> memref<200x128xf32, #tpu.memory_space<hbm>>
    %dma_wait3A_415 = tpu.memref_slice %arg10[%dma_wait3A_406] : memref<2x!tpu.dma_semaphore, #tpu.memory_space<semaphore_mem>> -> memref<1x!tpu.dma_semaphore, #tpu.memory_space<semaphore_mem>>
    %dma_wait3A_416 = tpu.memref_squeeze %dma_wait3A_415 : memref<1x!tpu.dma_semaphore, #tpu.memory_space<semaphore_mem>> -> memref<!tpu.dma_semaphore, #tpu.memory_space<semaphore_mem>>
    %dma_wait3A_417 = arith.constant 0 : i32
    %dma_wait3A_418 = arith.constant 0 : i32
    %dma_wait3A_419 = tpu.memref_slice %arg5[%add3A_404, %dma_wait3A_417, %dma_wait3A_418] : memref<4096x200x128xf32, #tpu.memory_space<hbm>> -> memref<1x200x128xf32, #tpu.memory_space<hbm>>
    %dma_wait3A_420 = tpu.memref_squeeze %dma_wait3A_419 : memref<1x200x128xf32, #tpu.memory_space<hbm>> -> memref<200x128xf32, #tpu.memory_space<hbm>>
    %dma_wait3A_421 = arith.constant 0 : i32
    %dma_wait3A_422 = arith.constant 0 : i32
    %dma_wait3A_423 = tpu.memref_slice %arg8[%dma_wait3A_405, %dma_wait3A_421, %dma_wait3A_422] : memref<2x200x128xf32, #tpu.memory_space<vmem>> -> memref<1x200x128xf32, #tpu.memory_space<vmem>>
    %dma_wait3A_424 = tpu.memref_squeeze %dma_wait3A_423 : memref<1x200x128xf32, #tpu.memory_space<vmem>> -> memref<200x128xf32, #tpu.memory_space<vmem>>
    tpu.wait_dma2 semaphore(%dma_wait3A_416 : memref<!tpu.dma_semaphore, #tpu.memory_space<semaphore_mem>>) src(%dma_wait3A_424 : memref<200x128xf32, #tpu.memory_space<vmem>>) dst(%dma_wait3A_420 : memref<200x128xf32, #tpu.memory_space<hbm>>)
    return
  }
}

</mosaic_0001>

<sc_bundles>
// kernel: kernel.3.cloned.1.call-start
scs
__scs_entry_jumppad:
0x0: {  	(pc) =	sbr.rel $0x88, $3  }
0x1: {  	(tag) =	ssettag $0x0;
	lr =	simm.s32 $0x1  }
0x2: {  	[smem:$0x3F9E] =	sst lr;
	_ =	strace $0xD0000000  }
0x3: {  	_ = 	snop  }
0x4: {  	_ = 	snop  }
0x5: {  	_ = 	snop  }
0x6: {  	_ = 	snop  }
0x7: {  	_ = 	snop  }
__scs_overlays_trampoline_lowered:
0x8: {  	[smem:$0x3FAD] =	sst s0  }
0x9: {  	[smem:$0x3FAE] =	sst s1  }
0xa: {  	[smem:$0x3FAF] =	sst s2  }
0xb: {  	[smem:$0x3FB0] =	sst s3  }
0xc: {  	[smem:$0x3FB1] =	sst s4  }
0xd: {  	[smem:$0x3FB2] =	sst s5  }
0xe: {  	[smem:$0x3FB3] =	sst s6  }
0xf: {  	[smem:$0x3FB4] =	sst s7  }
0x10: {  	[smem:$0x3FB5] =	sst s8  }
0x11: {  	[smem:$0x3FB6] =	sst s9;
	s0 =	simm.s32 @!p0 $0x0  }
0x12: {  	s1 =	sld [smem:$0x3F9C];
	s0 =	simm.s32 @p0 $0x1  }
0x13: {  	[smem:$0x3FB7] =	sst s0;
	s0 =	simm.s32 @!p1 $0x0  }
0x14: {  	s2 =	sld [smem:$0x3F9B];
	s0 =	simm.s32 @p1 $0x1  }
0x15: {  	[smem:$0x3FB8] =	sst s0;
	s0 =	simm.s32 @!p2 $0x0  }
0x16: {  	s3 =	sld [smem:$0x3FDB];
	s0 =	simm.s32 @p2 $0x1  }
0x17: {  	s4 =	simm.s32 $0x1BF5;
	[smem:$0x3FBA] =	sst s0  }
0x18: {  	s0 =	sld [smem:$0x3F9D];
	_ =	swait.ge [sflag:s4], $0x0  }
0x19: {  	s7 =	sld [smem:$0x3F9E]  }
0x1a: {  	s8 =	sadd.s32 $0xFFFFE003, lr  }
0x1b: {  	s9 =	sadd.s32 $0xFFFFFEF7, lr;
	s5 =	simm.s32 $0xFFFFFFFF;
	p2 =	slt.u32 s8, $0xFFFFF086  }
0x1c: {  	p1 =	slt.u32 s9, $0xF7A;
	s5 =	simm.s32 @!p2 $0x0  }
0x1d: {  	s5 =	simm.s32 @p1 $0x1;
	p0 =	seq.s32 s7, s2  }
0x1e: {  	s7 =	smul.u32 @!p0 $0xF7A, s2;
	p2 =	seq.s32 @!p0 s5, $0x0  }
0x1f: {  	s9 =	smul.u32 $0xF7A, s1;
	s8 =	simm.s32 @!p0 $0x1BF5;
	p2 =	por !p2, p0  }
0x20: {  	[sflag:s8] =	ssyncset.s32 @!p0 $0xFFFFF086;
	s6 =	sadd.s32 @!p0 s3, s7;
	s7 =	simm.s32 @!p0 $0x108  }
0x21: {  	s3 =	sadd.s32 s3, s9;
	s6 =	sadd.s32 @!p0 $0x88, s6;
	s7 =	simm.s32 @p2 $0x1082  }
0x22: {  	[simem:s7], [sflag:s8] =	dma.local @!p0 [hbm:s6], $0xF7A  }
0x23: {  	s9 =	sor.u32 $0xD0000000, s2;
	s6 =	simm.s32 $0x108;
	_ =	swait.ge @!p0 [sflag:s8], $0x0  }
0x24: {  	s3 =	sadd.s32 $0x88, s3;
	s6 =	simm.s32 @!p1 $0x1082;
	[sflag:s4] =	ssyncset.s32 $0xFFFFF086  }
0x25: {  	[simem:s6], [sflag:s4] =	dma.local [hbm:s3], $0xF7A  }
0x26: {  	[smem:$0x3F9E] =	sst s1;
	(tag) =	ssettag s2;
	_ =	strace s9  }
0x27: {  	s1 =	sld [smem:$0x3FAE]  }
0x28: {  	s2 =	sld [smem:$0x3FAF]  }
0x29: {  	s4 =	sld [smem:$0x3FB1]  }
0x2a: {  	p0 =	seq.s32 s5, $0x0;
	s5 =	sld [smem:$0x3FB2]  }
0x2b: {  	s6 =	sld [smem:$0x3FB3]  }
0x2c: {  	s7 =	sld [smem:$0x3FB4]  }
0x2d: {  	s3 =	simm.s32 $0x108;
	s8 =	sld [smem:$0x3FB5]  }
0x2e: {  	s3 =	simm.s32 @!p0 $0x1082;
	s9 =	sld [smem:$0x3FB6]  }
0x2f: {  	lr =	sadd.s32 s0, s3;
	s0 =	sld [smem:$0x3FAD]  }
0x30: {  	s3 =	sld [smem:$0x3FB0]  }
0x31: {  	[smem:$0x3FB9] =	sst s10  }
0x32: {  	s10 =	sld [smem:$0x3FB7];
	_ =	sdelay $0x3  }
0x33: {  	p0 =	seq.s32 s10, $0x1;
	s10 =	sld [smem:$0x3FB9];
	_ =	sdelay $0x3  }
0x34: {  	[smem:$0x3FB9] =	sst s10  }
0x35: {  	s10 =	sld [smem:$0x3FB8];
	_ =	sdelay $0x3  }
0x36: {  	p1 =	seq.s32 s10, $0x1;
	s10 =	sld [smem:$0x3FB9];
	_ =	sdelay $0x3  }
0x37: {  	[smem:$0x3FB9] =	sst s10  }
0x38: {  	s10 =	sld [smem:$0x3FBA]  }
0x39: {  	_ = 	snop;
	(pc) =	sbr.ind lr, $3  }
0x3a: {  	_ = 	snop  }
0x3b: {  	_ = 	snop  }
0x3c: {  	p2 =	seq.s32 s10, $0x1;
	s10 =	sld [smem:$0x3FB9]  }
0x3d: {  	_ =	shalt  }
0x3e: {  	_ =	shalt  }
0x3f: {  	_ =	shalt  }
0x40: {  	_ =	shalt  }
0x41: {  	_ =	shalt  }
0x42: {  	_ =	shalt  }
0x43: {  	_ =	shalt  }
0x44: {  	_ =	shalt  }
0x45: {  	_ =	shalt  }
0x46: {  	_ =	shalt  }
0x47: {  	_ =	shalt  }
0x48: {  	_ =	shalt  }
0x49: {  	_ =	shalt  }
0x4a: {  	_ =	shalt  }
0x4b: {  	_ =	shalt  }
0x4c: {  	_ =	shalt  }
0x4d: {  	_ =	shalt  }
0x4e: {  	_ =	shalt  }
0x4f: {  	_ =	shalt  }
0x50: {  	_ =	shalt  }
0x51: {  	_ =	shalt  }
0x52: {  	_ =	shalt  }
0x53: {  	_ =	shalt  }
0x54: {  	_ =	shalt  }
0x55: {  	_ =	shalt  }
0x56: {  	_ =	shalt  }
0x57: {  	_ =	shalt  }
0x58: {  	_ =	shalt  }
0x59: {  	_ =	shalt  }
0x5a: {  	_ =	shalt  }
0x5b: {  	_ =	shalt  }
0x5c: {  	_ =	shalt  }
0x5d: {  	_ =	shalt  }
0x5e: {  	_ =	shalt  }
0x5f: {  	_ =	shalt  }
0x60: {  	_ =	shalt  }
0x61: {  	_ =	shalt  }
0x62: {  	_ =	shalt  }
0x63: {  	_ =	shalt  }
0x64: {  	_ =	shalt  }
0x65: {  	_ =	shalt  }
0x66: {  	_ =	shalt  }
0x67: {  	_ =	shalt  }
0x68: {  	_ =	shalt  }
0x69: {  	_ =	shalt  }
0x6a: {  	_ =	shalt  }
0x6b: {  	_ =	shalt  }
0x6c: {  	_ =	shalt  }
0x6d: {  	_ =	shalt  }
0x6e: {  	_ =	shalt  }
0x6f: {  	_ =	shalt  }
0x70: {  	_ =	shalt  }
0x71: {  	_ =	shalt  }
0x72: {  	_ =	shalt  }
0x73: {  	_ =	shalt  }
0x74: {  	_ =	shalt  }
0x75: {  	_ =	shalt  }
0x76: {  	_ =	shalt  }
0x77: {  	_ =	shalt  }
0x78: {  	_ =	shalt  }
0x79: {  	_ =	shalt  }
0x7a: {  	_ =	shalt  }
0x7b: {  	_ =	shalt  }
0x7c: {  	_ =	shalt  }
0x7d: {  	_ =	shalt  }
0x7e: {  	_ =	shalt  }
0x7f: {  	_ =	shalt  }
0x80: {  	_ =	shalt  }
0x81: {  	_ =	shalt  }
0x82: {  	_ =	shalt  }
0x83: {  	_ =	shalt  }
0x84: {  	_ =	shalt  }
0x85: {  	_ =	shalt  }
0x86: {  	_ =	shalt  }
0x87: {  	_ =	shalt  }
.Lfunc_end0:
.L_simem_size_0:
called_computation_lowered:
.L_overlay_start_0:
0x88: {  	s2 =	sld [smem:$0x3FD9]  }
0x89: {  	s3 =	sld [smem:$0x3FFE];
	_ =	sdelay $0x1  }
0x8a: {  	s1 =	srdreg.scid  }
0x8b: {  	s0 =	sand.u32 $0x1, s1  }
0x8c: {  	s17 =	sshll.u32 s0, $0xA;
	s2 =	sadd.s32 s3, s2  }
0x8d: {  	s2 =	sadd.s32 s2, s17  }
0x8e: {  	[smem:$0x3FC5] =	sst s2  }
0x8f: {  	_ = 	snop  }
0x90: {  	s2 =	sld [smem:$0x3FC8]  }
0x91: {  	s18 =	sld [smem:$0x3FD0];
	(tm) =	ssettm $0x1  }
0x92: {  	s4 =	sld [smem:$0x3FFB];
	_ =	sdelay $0x3  }
0x93: {  	_ =	strace s4  }
0x94: {  	s4 =	sld [smem:$0x3FFC];
	_ =	sdelay $0x3  }
0x95: {  	_ =	strace s4  }
0x96: {  	s4 =	sld [smem:$0x3FFD];
	_ =	sdelay $0x3  }
0x97: {  	_ =	strace s4  }
0x98: {  	_ =	strace $0x8FFFFFFF  }
0x99: {  	s19 =	sld [smem:$0x3FDB];
	_ =	sdelay $0x1  }
0x9a: {  	s5 =	simm.s32 $_scs_section_size  }
0x9b: {  	s6 =	simm.s32 $_size__tile_overlayer_lowered;
	s7 =	simm.s32 $_tile_overlayer_lowered  }
0x9c: {  	s22 =	simm.s32 $0x1BFF;
	s21 =	sshll.u32 s7, $0x1;
	s4 =	sadd.s32 s5, s19  }
0x9d: {  	s8 =	simm.s32 $0x0;
	s20 =	sshll.u32 s6, $0x1;
	s6 =	sadd.s32 s21, s4  }
0x9e: {  	[timem:s8], [sflag:s22] =	dma.local [hbm:s6], s20  }
0x9f: {  	_ =	swait.ge [sflag:s22], s20  }
0xa0: {  	s5 =	ssub.s32 $0x0, s20;
	[sflag:s22] =	ssyncset.done $0x0  }
0xa1: {  	[sflag:s22] =	ssyncadd.s32 s5;
	_ =	sdelay $0x1  }
0xa2: {  	s23 =	simm.s32 $0x1B8B  }
0xa3: {  	_ =	swait.ge [sflag:s23], $0x1  }
0xa4: {  	[sflag:s23] =	ssyncset.done $0x0  }
0xa5: {  	s25 =	simm.s32 $0x1B8E;
	s24 =	sld [smem:$0x3FFE];
	[sflag:s23] =	ssyncadd.s32 $0xFFFFFFFF  }
0xa6: {  	s26 =	simm.s32 $execute0_lowered;
	[smem:$0x3FD2] =	sst s25  }
0xa7: {  	s6 =	sshll.u32 s26, $0x1;
	_ =	strace $0x80000046;
	[dreg:$0x1] =	wrdreg $0xFFFFFFFF  }
0xa8: {  	s28 =	simm.s32 $_size_execute0_lowered;
	s4 =	sadd.s32 s4, s6;
	[dreg:$0x0] =	wrdreg $0x0  }
0xa9: {  	s6 =	sshll.u32 s28, $0x1;
	[dreg:$0x2] =	wrdreg s4  }
0xaa: {  	[dreg:$0x3] =	wrdreg s6  }
0xab: {  	[dreg:$0x4] =	wrdreg $0xC0  }
0xac: {  	_ =	task [dreg:s8], $0x5FFFF  }
0xad: {  	[dreg:$0x1] =	wrdreg $0xFFFFFFFF  }
0xae: {  	[dreg:$0x0] =	wrdreg $0x60  }
0xaf: {  	[dreg:$0x2] =	wrdreg s24  }
0xb0: {  	[dreg:$0x3] =	wrdreg s2  }
0xb1: {  	[dreg:$0x4] =	wrdreg s18  }
0xb2: {  	[dreg:$0x5] =	wrdreg $0x9  }
0xb3: {  	_ =	task.clear_ibuf [dreg:s8], $0x6FFFF;
	_ =	strace $0x90000046  }
0xb4: {  	s29 =	simm.s32 $0x9;
	_ =	strace $0x80000048  }
0xb5: {  	_ =	swait.ge [sflag:s29], $0x1  }
0xb6: {  	[sflag:s29] =	ssyncadd.s32 $0xFFFFFFFF  }
0xb7: {  	_ =	strace $0x90000048  }
0xb8: {  	_ =	sfence  }
0xb9: {  	s30 =	sld [smem:$0x0];
	_ =	sdelay $0x2  }
0xba: {  	s31 =	sshll.u32 s1, $0xD;
	s1 =	sshrl.u32 s1, $0x2  }
0xbb: {  	s3 =	sand.u32 $0x4000, s31;
	s1 =	sadd.s32 s1, s30  }
0xbc: {  	s0 =	sor.u32 s3, s0;
	s1 =	sshll.u32 s1, $0x11  }
0xbd: {  	s0 =	sor.u32 s1, s0  }
0xbe: {  	s0 =	sadd.s32 $0x8F2B, s0  }
0xbf: {  	[sflag:s0] =	ssyncadd.remote.s32 $0x1  }
0xc0: {  	_ =	sfence.sel $0xFFFF  }
0xc1: {  	[dreg:$0x0] =	wrdreg $0xFFFFFFFF;
	(pc) =	sbr.abs _section_cstart, $3  }
0xc2: {  	[dreg:$0x1] =	wrdreg $0xFFFFFFFF  }
0xc3: {  	_ =	task.clear_ibuf [dreg:s8], $0x2FFFF;
	_ =	strace $0x9FFFFFFF  }
0xc4: {  	(tm) =	ssettm $0x7FFFFFFF  }
0xc5: {  	_ =	shalt  }
tec
execute0_lowered:
.L_overlay_start_1:
0x0: {  	(tag) =	ssettag $0x1  }
0x1: {  	s9 =	rddreg [dreg:$0x0]  }
0x2: {  	s3 =	rddreg [dreg:$0x1]  }
0x3: {  	s0 =	rddreg [dreg:$0x2];
	s1 =	srdreg.scid  }
0x4: {  	s11 =	stileid.u32;
	s4 =	simm.s32 $0x0;
	s12 =	simm.s32 $0x6400  }
0x5: {  	s13 =	simm.s32 $0x7;
	s14 =	simm.s32 $0x64;
	s15 =	simm.s32 $0xE400  }
0x6: {  	s17 =	simm.s32 $0x11600;
	s18 =	simm.s32 $0x1;
	s20 =	simm.s32 $0x14800  }
0x7: {  	s21 =	simm.s32 $0x2;
	s23 =	simm.s32 $0x17A00;
	s24 =	simm.s32 $0x3  }
0x8: {  	s25 =	simm.s32 $0x5;
	s28 =	simm.s32 $0x4;
	s29 =	simm.s32 $0x6680  }
0x9: {  	s30 =	simm.s32 $0x6;
	s1 =	sand.u32 $0x1, s1;
	s2 =	sshll.u32 s11, $0x1  }
0xa: {  	[smem:$0x7FF] =	sst s4;
	s26 =	smul.u32 $0xC8000, s11;
	s2 =	sor.u32 s1, s2  }
0xb: {  	s31 =	simm.s32 $0xE300;
	_ =	strace $0x80000047;
	s6 =	smul.u32 $0x64000, s2  }
0xc: {  	s5 =	ssub.s32 $0x2, s1;
	s7 =	sshll.u32 s2, $0xC;
	s2 =	smul.u32 $0x320000, s2  }
0xd: {  	s1 =	smul.u32 $0x64000, s1;
	s8 =	sshrl.u32 s5, $0x1;
	s7 =	sadd.s32 s7, s9  }
0xe: {  	s10 =	ssub.s32 s5, s8;
	s5 =	sadd.s32 $0xE00, s7;
	s2 =	sshrl.u32 s2, $0x3  }
0xf: {  	s6 =	sadd.s32 s0, s6;
	s10 =	smax.u32 s10, $0x1;
	s2 =	sadd.s32 s0, s2  }
0x10: {  	s0 =	sadd.s32 s26, s0;
	s7 =	sadd.s32 $0xC80, s6;
	s26 =	simm.s32 $0x6600  }
0x11: {  	s8 =	sadd.s32 $0x62700, s2;
	s0 =	sadd.s32 s1, s0;
	s9 =	sadd.s32 $0x63380, s2  }
0x12: {  	s2 =	simm.s32 $0x0;
	s11 =	sadd.s32 $0x1900, s0;
	s0 =	simm.s32 $0xE380  }
.LBB2_1:
0x13: {  	[tilespmem:s12], [sflag:$0x7] =	stream.linear.gather [hbm4b:s5+s4], $0x8000, $0x38;
	[tilespmem:$0x1AC00] =	vst v63  }
0x14: {  	_ =	swait.ge [sflag:s13], $0x8000  }
0x15: {  	[sflag:s13] =	ssyncset.done $0x0  }
0x16: {  	[sflag:s13] =	ssyncadd.s32 $0xFFFF8000  }
0x17: {  	s1 =	rddreg [dreg:$0x0]  }
0x18: {  	[tilespmem:s4], [sflag:$0x7] =	stream.linear.gather [hbm4b:s1+s4], $0x6400, $0x38;
	[tilespmem:$0x1AC00] =	vst v63  }
0x19: {  	_ =	swait.ge [sflag:s13], $0x6400  }
0x1a: {  	[sflag:s13] =	ssyncset.done $0x0  }
0x1b: {  	[sflag:s13] =	ssyncadd.s32 $0xFFFF9C00  }
0x1c: {  	[tilespmem:s15], [sflag:$0x1] =	stream.indirect.gather [hbm4b:s3+s14], $0x80, s12, s14, $0xb8;
	[tilespmem:$0x1AC00] =	vst v63  }
0x1d: {  	s22 =	simm.s32 $0x6480  }
0x1e: {  	[tilespmem:s17], [sflag:$0x2] =	stream.indirect.gather [hbm4b:s3+s14], $0x80, s22, s14, $0xb8;
	[tilespmem:$0x1AC00] =	vst v63  }
0x1f: {  	_ =	swait.ge [sflag:s18], $0x3200  }
0x20: {  	[sflag:s18] =	ssyncset.done $0x0  }
0x21: {  	s16 =	simm.s32 $0x6500;
	[sflag:s18] =	ssyncadd.s32 $0xFFFFCE00  }
0x22: {  	[tilespmem:s20], [sflag:$0x3] =	stream.indirect.gather [hbm4b:s3+s14], $0x80, s16, s14, $0xb8;
	[tilespmem:$0x1AC00] =	vst v63  }
0x23: {  	_ =	swait.ge [sflag:s21], $0x3200  }
0x24: {  	[sflag:s21] =	ssyncset.done $0x0  }
0x25: {  	[sflag:s21] =	ssyncadd.s32 $0xFFFFCE00  }
0x26: {  	[hbm4b:s6+s4] =	stream.linear.scatter [tilespmem:s15], [sflag:$0x5], $0x6400, $0x38;
	[tilespmem:$0x1AC00] =	vst v63  }
0x27: {  	s19 =	simm.s32 $0x6580  }
0x28: {  	[tilespmem:s23], [sflag:$0x4] =	stream.indirect.gather [hbm4b:s3+s14], $0x80, s19, s14, $0xb8;
	[tilespmem:$0x1AC00] =	vst v63  }
0x29: {  	_ =	swait.ge [sflag:s24], $0x3200  }
0x2a: {  	[sflag:s24] =	ssyncset.done $0x0  }
0x2b: {  	[sflag:s24] =	ssyncadd.s32 $0xFFFFCE00  }
0x2c: {  	_ =	swait.ge [sflag:s25], $0x6400  }
0x2d: {  	[sflag:s25] =	ssyncset.done $0x0  }
0x2e: {  	[sflag:s25] =	ssyncadd.s32 $0xFFFF9C00  }
0x2f: {  	[tilespmem:s15], [sflag:$0x1] =	stream.indirect.gather [hbm4b:s3+s14], $0x80, s26, s14, $0xb8;
	[tilespmem:$0x1AC00] =	vst v63  }
0x30: {  	_ =	swait.ge [sflag:s28], $0x3200  }
0x31: {  	[sflag:s28] =	ssyncset.done $0x0  }
0x32: {  	[sflag:s28] =	ssyncadd.s32 $0xFFFFCE00  }
0x33: {  	[hbm4b:s7+s4] =	stream.linear.scatter [tilespmem:s20], [sflag:$0x6], $0x6400, $0x38;
	[tilespmem:$0x1AC00] =	vst v63  }
0x34: {  	_ = 	snop  }
0x35: {  	[tilespmem:s17], [sflag:$0x2] =	stream.indirect.gather [hbm4b:s3+s14], $0x80, s29, s14, $0xb8;
	[tilespmem:$0x1AC00] =	vst v63  }
0x36: {  	_ =	swait.ge [sflag:s18], $0x3200  }
0x37: {  	[sflag:s18] =	ssyncset.done $0x0  }
0x38: {  	[sflag:s18] =	ssyncadd.s32 $0xFFFFCE00  }
0x39: {  	_ =	swait.ge [sflag:s30], $0x6400  }
0x3a: {  	[sflag:s30] =	ssyncset.done $0x0  }
0x3b: {  	s22 =	simm.s32 $0x6700;
	[sflag:s30] =	ssyncadd.s32 $0xFFFF9C00  }
0x3c: {  	[tilespmem:s20], [sflag:$0x3] =	stream.indirect.gather [hbm4b:s3+s14], $0x80, s22, s14, $0xb8;
	[tilespmem:$0x1AC00] =	vst v63  }
0x3d: {  	_ =	swait.ge [sflag:s21], $0x3200  }
0x3e: {  	[sflag:s21] =	ssyncset.done $0x0  }
0x3f: {  	[sflag:s21] =	ssyncadd.s32 $0xFFFFCE00  }
0x40: {  	[hbm4b:s11+s4] =	stream.linear.scatter [tilespmem:s15], [sflag:$0x5], $0x6400, $0x38;
	[tilespmem:$0x1AC00] =	vst v63  }
0x41: {  	s16 =	simm.s32 $0x6780  }
0x42: {  	[tilespmem:s23], [sflag:$0x4] =	stream.indirect.gather [hbm4b:s3+s14], $0x80, s16, s14, $0xb8;
	[tilespmem:$0x1AC00] =	vst v63  }
0x43: {  	_ =	swait.ge [sflag:s24], $0x3200  }
0x44: {  	[sflag:s24] =	ssyncset.done $0x0  }
0x45: {  	[sflag:s24] =	ssyncadd.s32 $0xFFFFCE00  }
0x46: {  	_ =	swait.ge [sflag:s25], $0x6400  }
0x47: {  	[sflag:s25] =	ssyncset.done $0x0  }
0x48: {  	s19 =	simm.s32 $0x6800;
	[sflag:s25] =	ssyncadd.s32 $0xFFFF9C00  }
0x49: {  	[tilespmem:s15], [sflag:$0x1] =	stream.indirect.gather [hbm4b:s3+s14], $0x80, s19, s14, $0xb8;
	[tilespmem:$0x1AC00] =	vst v63  }
0x4a: {  	_ =	swait.ge [sflag:s28], $0x3200  }
0x4b: {  	s1 =	simm.s32 $0x800;
	s22 =	sadd.s32 $0xC80, s11;
	[sflag:s28] =	ssyncset.done $0x0  }
0x4c: {  	s16 =	sadd.s32 $0x1900, s11;
	s19 =	simm.s32 $0x6880;
	[sflag:s28] =	ssyncadd.s32 $0xFFFFCE00  }
0x4d: {  	[hbm4b:s22+s4] =	stream.linear.scatter [tilespmem:s20], [sflag:$0x6], $0x6400, $0x38;
	[tilespmem:$0x1AC00] =	vst v63  }
.LBB2_2:
0x4e: {  	[tilespmem:s17], [sflag:$0x2] =	stream.indirect.gather [hbm4b:s3+s14], $0x80, s19, s14, $0xb8;
	[tilespmem:$0x1AC00] =	vst v63  }
0x4f: {  	s19 =	smov.u32 s1  }
0x50: {  	p0 =	sne.s32 s1, $0x1E800;
	s1 =	sadd.s32 $0x800, s1;
	_ =	swait.ge [sflag:s18], $0x3200  }
0x51: {  	[sflag:s18] =	ssyncset.done $0x0  }
0x52: {  	[sflag:s18] =	ssyncadd.s32 $0xFFFFCE00  }
0x53: {  	_ =	swait.ge [sflag:s30], $0x6400  }
0x54: {  	s19 =	sshra.s32 s19, $0x2;
	[sflag:s30] =	ssyncset.done $0x0  }
0x55: {  	s22 =	sadd.s32 $0x6700, s19;
	[sflag:s30] =	ssyncadd.s32 $0xFFFF9C00  }
0x56: {  	[tilespmem:s20], [sflag:$0x3] =	stream.indirect.gather [hbm4b:s3+s14], $0x80, s22, s14, $0xb8;
	[tilespmem:$0x1AC00] =	vst v63  }
0x57: {  	_ =	swait.ge [sflag:s21], $0x3200  }
0x58: {  	[sflag:s21] =	ssyncset.done $0x0  }
0x59: {  	[sflag:s21] =	ssyncadd.s32 $0xFFFFCE00  }
0x5a: {  	[hbm4b:s16+s4] =	stream.linear.scatter [tilespmem:s15], [sflag:$0x5], $0x6400, $0x38;
	[tilespmem:$0x1AC00] =	vst v63  }
0x5b: {  	s22 =	sadd.s32 $0x6780, s19  }
0x5c: {  	[tilespmem:s23], [sflag:$0x4] =	stream.indirect.gather [hbm4b:s3+s14], $0x80, s22, s14, $0xb8;
	[tilespmem:$0x1AC00] =	vst v63  }
0x5d: {  	_ =	swait.ge [sflag:s24], $0x3200  }
0x5e: {  	[sflag:s24] =	ssyncset.done $0x0  }
0x5f: {  	[sflag:s24] =	ssyncadd.s32 $0xFFFFCE00  }
0x60: {  	_ =	swait.ge [sflag:s25], $0x6400  }
0x61: {  	[sflag:s25] =	ssyncset.done $0x0  }
0x62: {  	s22 =	sadd.s32 $0x6800, s19;
	[sflag:s25] =	ssyncadd.s32 $0xFFFF9C00  }
0x63: {  	[tilespmem:s15], [sflag:$0x1] =	stream.indirect.gather [hbm4b:s3+s14], $0x80, s22, s14, $0xb8;
	[tilespmem:$0x1AC00] =	vst v63  }
.Ltmp0:
0x64: {  	_ =	swait.ge [sflag:s28], $0x3200;
	(pc) =	sbr.rel @p0 .LBB2_2-.Ltmp0, $4  }
0x65: {  	[sflag:s28] =	ssyncset.done $0x0  }
0x66: {  	s22 =	sadd.s32 $0xC80, s16;
	[sflag:s28] =	ssyncadd.s32 $0xFFFFCE00  }
0x67: {  	[hbm4b:s22+s4] =	stream.linear.scatter [tilespmem:s20], [sflag:$0x6], $0x6400, $0x38;
	[tilespmem:$0x1AC00] =	vst v63  }
0x68: {  	s19 =	sadd.s32 $0x6880, s19;
	s16 =	sadd.s32 $0x1900, s16  }
0x69: {  	[tilespmem:s17], [sflag:$0x2] =	stream.indirect.gather [hbm4b:s3+s14], $0x80, s19, s14, $0xb8;
	[tilespmem:$0x1AC00] =	vst v63  }
0x6a: {  	_ =	swait.ge [sflag:s18], $0x3200  }
0x6b: {  	[sflag:s18] =	ssyncset.done $0x0  }
0x6c: {  	[sflag:s18] =	ssyncadd.s32 $0xFFFFCE00  }
0x6d: {  	_ =	swait.ge [sflag:s30], $0x6400  }
0x6e: {  	[sflag:s30] =	ssyncset.done $0x0  }
0x6f: {  	[sflag:s30] =	ssyncadd.s32 $0xFFFF9C00  }
0x70: {  	[tilespmem:s20], [sflag:$0x3] =	stream.indirect.gather [hbm4b:s3+s14], $0x80, s31, s14, $0xb8;
	[tilespmem:$0x1AC00] =	vst v63  }
0x71: {  	_ =	swait.ge [sflag:s21], $0x3200  }
0x72: {  	[sflag:s21] =	ssyncset.done $0x0  }
0x73: {  	[sflag:s21] =	ssyncadd.s32 $0xFFFFCE00  }
0x74: {  	[hbm4b:s8+s4] =	stream.linear.scatter [tilespmem:s15], [sflag:$0x5], $0x6400, $0x38;
	[tilespmem:$0x1AC00] =	vst v63  }
0x75: {  	_ = 	snop  }
0x76: {  	[tilespmem:s23], [sflag:$0x4] =	stream.indirect.gather [hbm4b:s3+s14], $0x80, s0, s14, $0xb8;
	[tilespmem:$0x1AC00] =	vst v63  }
0x77: {  	_ =	swait.ge [sflag:s24], $0x3200  }
0x78: {  	[sflag:s24] =	ssyncset.done $0x0  }
0x79: {  	[sflag:s24] =	ssyncadd.s32 $0xFFFFCE00  }
0x7a: {  	_ =	swait.ge [sflag:s28], $0x3200  }
0x7b: {  	[sflag:s28] =	ssyncset.done $0x0  }
0x7c: {  	s2 =	sadd.s32 $0x1, s2;
	[sflag:s28] =	ssyncadd.s32 $0xFFFFCE00  }
0x7d: {  	[hbm4b:s9+s4] =	stream.linear.scatter [tilespmem:s20], [sflag:$0x6], $0x6400, $0x38;
	[tilespmem:$0x1AC00] =	vst v63  }
0x7e: {  	p0 =	sne.s32 s2, s10;
	_ =	swait.ge [sflag:s25], $0x6400  }
.Ltmp1:
0x7f: {  	[sflag:s25] =	ssyncset.done $0x0;
	(pc) =	sbr.rel @p0 .LBB2_1-.Ltmp1, $4  }
0x80: {  	[sflag:s25] =	ssyncadd.s32 $0xFFFF9C00  }
0x81: {  	_ =	swait.ge [sflag:s30], $0x6400  }
0x82: {  	[sflag:s30] =	ssyncset.done $0x0  }
0x83: {  	[sflag:s30] =	ssyncadd.s32 $0xFFFF9C00  }
0x84: {  	_ =	sfence.sel $0x180000  }
0x85: {  	[bflag:$0x0] =	sbarrier.arrive $0xFFFF  }
0x86: {  	_ =	strace $0x90000047  }
0x87: {  	s0 =	stileid.u32;
	[bflag:$0x2] =	sbarrier.arrive $0xFFFF  }
0x88: {  	p0 =	sne.s32 s0, $0x0;
	s0 =	rddreg [dreg:$0x3]  }
0x89: {  	s0 =	sadd.s32 @!p0 $0x100000, s0  }
0x8a: {  	[sflag:s0] =	ssyncadd.tile.s32 @!p0 $0x1;
	_ =	shalt  }
.Lfunc_end2:
_tile_overlayer_lowered:
.L_overlay_start_2:
0x8b: {  	(tag) =	ssettag $0x2  }
0x8c: {  	s0 =	rddreg [dreg:$0x0];
	s2 =	stileid.u32  }
0x8d: {  	s1 =	rddreg [dreg:$0x1];
	p0 =	sne.s32 s2, $0x0  }
0x8e: {  	s3 =	rddreg [dreg:$0x2];
	[bflag:$0x3] =	sbarrier.arrive $0xFFFF;
	s2 =	simm.s32 @!p0 $0x1C07  }
0x8f: {  	[timem:s3], [sflag:s2] =	dma.local @!p0 [hbm:s0], s1  }
0x90: {  	s0 =	simm.s32 @!p0 $0x7  }
0x91: {  	_ =	swait.ge @!p0 [sflag:s0], s1  }
0x92: {  	s1 =	ssub.s32 @!p0 $0x0, s1;
	[sflag:s0] =	ssyncset.done @!p0 $0x0  }
0x93: {  	[sflag:s0] =	ssyncadd.s32 @!p0 s1  }
0x94: {  	[bflag:$0x3] =	sbarrier.arrive $0xFFFF  }
0x95: {  	_ =	shalt  }

</sc_bundles>
